<compile_context>
chip_gen: v7x
topology: tpu7x:2x2x1
jax: 0.10.2.dev20260603
libtpu: 0.0.44.dev20260713+nightly
codegen_flags: <defaults>
</compile_context>

<pallas_src>
import functools

import jax
import jax.numpy as jnp
from jax import lax
from jax.experimental import pallas as pl
from jax.experimental.pallas import tpu as pltpu
from jax.experimental.pallas import tpu_sc as plsc

_B, _N, _D = 16, 512, 256
_NC = 2
_NS = 16
_LANES = 16
_NW = _NC * _NS
_ROWS_PER_TILE = _N // _NW
_TILE_ELEMS = _ROWS_PER_TILE * _N
_GROUPS_PER_ROW = _N // _LANES


_EI_COLS = _N * _N


def _edge_index_body(ei_ref, pat_ref):
    c = pl.program_id(0)

    @pl.when(c == 0)
    def _():
        col = lax.broadcasted_iota(jnp.int32, (2, _EI_COLS), 1)
        row = lax.broadcasted_iota(jnp.int32, (2, _EI_COLS), 0)
        v0 = col >> 9
        v1 = col & (_N - 1)
        pat_ref[...] = jnp.where(row == 0, v0, v1)

    ei_ref[...] = pat_ref[...] + c * _N


_edge_index_tc = pl.pallas_call(
    _edge_index_body,
    grid=(_B,),
    out_specs=pl.BlockSpec((2, _EI_COLS), lambda c: (0, c)),
    out_shape=jax.ShapeDtypeStruct((2, _B * _N * _N), jnp.int32),
    scratch_shapes=[pltpu.VMEM((2, _EI_COLS), jnp.int32)],
)



def _edge_attr_body(adj_hbm, adjt_hbm, out_hbm, va, vb, sbuf, sem_in, sem_out):
    wid = lax.axis_index("s") * _NC + lax.axis_index("c")
    r0 = wid * _ROWS_PER_TILE
    cp_a = pltpu.make_async_copy(
        adj_hbm.at[pl.ds(r0, _ROWS_PER_TILE), :], va, sem_in)
    cp_b = pltpu.make_async_copy(
        adjt_hbm.at[pl.ds(r0, _ROWS_PER_TILE), :], vb, sem_in)
    cp_a.start()
    cp_b.start()
    cp_a.wait()
    cp_b.wait()

    @plsc.parallel_loop(0, _ROWS_PER_TILE * _GROUPS_PER_ROW, unroll=8)
    def _fill(g):
        i = g // _GROUPS_PER_ROW
        k = (g % _GROUPS_PER_ROW) * _LANES
        a = va[i, pl.ds(k, _LANES)]
        b = vb[i, pl.ds(k, _LANES)]
        sa = 1.0 / (1.0 + jnp.exp(-a))
        sb = 1.0 / (1.0 + jnp.exp(-b))
        sbuf[pl.ds(g * _LANES, _LANES)] = (sa + sb) * 0.5

    copies = []
    for b in range(_B):
        cp = pltpu.make_async_copy(
            sbuf,
            out_hbm.at[pl.ds(b * _N * _N + wid * _TILE_ELEMS, _TILE_ELEMS)],
            sem_out)
        cp.start()
        copies.append(cp)
    for cp in copies:
        cp.wait()


@functools.lru_cache(maxsize=1)
def _edge_attr_sc():
    return functools.partial(
        pl.kernel,
        out_type=jax.ShapeDtypeStruct((_B * _N * _N,), jnp.float32),
        mesh=plsc.VectorSubcoreMesh(core_axis_name="c", subcore_axis_name="s"),
        scratch_types=[
            pltpu.VMEM((_ROWS_PER_TILE, _N), jnp.float32),
            pltpu.VMEM((_ROWS_PER_TILE, _N), jnp.float32),
            pltpu.VMEM((_TILE_ELEMS,), jnp.float32),
            pltpu.SemaphoreType.DMA,
            pltpu.SemaphoreType.DMA,
        ],
    )(_edge_attr_body)


def kernel(x, adj):
    Bv, Nv, Dv = x.shape
    edge_attr = _edge_attr_sc()(adj, adj.T)
    edge_index = _edge_index_tc()
    x_batched = x.reshape(Bv * Nv, Dv)
    return x_batched, edge_index, edge_attr

# --- scband reference (transcript-rebuilt; emitter-appended) ---
"""Pipeline reference for scband-learnable-graph-learner-14929306321607 (READ-ONLY COPY).

The authoritative reference and input builder live on the scoring server;
editing this copy changes nothing except your own understanding.
"""

import jax, jax.numpy as jnp
import numpy as np

B, N, D = 16, 512, 256


def setup_inputs(seed: int = 0) -> dict:
    key = jax.random.key(seed)
    k1, k2 = jax.random.split(key)
    x = jax.random.normal(k1, (B, N, D), dtype=jnp.float32)
    # learned parameter: dense adjacency logits, initialized ~ torch.randn(num_nodes, num_nodes)
    adj = jax.random.normal(k2, (N, N), dtype=jnp.float32)
    return {"x": x, "adj": adj}


def reference(x, adj):
    # Faithful translation of LearnableGraphLearner.forward + PyG Batch.from_data_list.
    Bv, Nv, Dv = x.shape
    a = jax.nn.sigmoid(adj)
    a = (a + a.T) / 2.0
    # dense_to_sparse: sigmoid > 0 everywhere, so every (i, j) pair is an edge,
    # enumerated in row-major order exactly like torch_geometric.utils.dense_to_sparse.
    rows = jnp.repeat(jnp.arange(Nv, dtype=jnp.int64), Nv)
    cols = jnp.tile(jnp.arange(Nv, dtype=jnp.int64), Nv)
    edge_index_single = jnp.stack([rows, cols], axis=0)          # [2, N*N]
    edge_weight_single = a.reshape(-1)                           # [N*N]
    # Batch.from_data_list: concatenate node features, offset edge indices per sample,
    # concatenate edge attrs. (adj is the same for every sample in the loop.)
    x_batched = x.reshape(Bv * Nv, Dv)                           # [B*N, D]
    offsets = (jnp.arange(Bv, dtype=jnp.int64) * Nv)[:, None, None]
    edge_index = (edge_index_single[None, :, :] + offsets)       # [B, 2, N*N]
    edge_index = jnp.transpose(edge_index, (1, 0, 2)).reshape(2, -1)  # [2, B*N*N]
    edge_attr = jnp.tile(edge_weight_single, Bv)                 # [B*N*N]
    return x_batched, edge_index, edge_attr

if __name__ == "__main__":
    import jax
    _d = setup_inputs()
    print(jax.jit(kernel)(*tuple(_d.values())))

</pallas_src>

<mosaic_0001>
#map = affine_map<(d0, d1) -> (0, 0)>
#map1 = affine_map<(d0, d1) -> (0)>
module attributes {stable_mosaic.version = 14 : i64} {
  func.func @_edge_attr_body(%arg0: i32, %arg1: i32, %arg2: memref<512x512xf32, #tpu.memory_space<hbm>>, %arg3: memref<512x512xf32, #tpu.memory_space<hbm>>, %arg4: memref<4194304xf32, #tpu.memory_space<hbm>>, %arg5: memref<16x512xf32, #tpu.memory_space<vmem>>, %arg6: memref<16x512xf32, #tpu.memory_space<vmem>>, %arg7: memref<8192xf32, #tpu.memory_space<vmem>>, %arg8: memref<!tpu.dma_semaphore, #tpu.memory_space<semaphore_mem>>, %arg9: memref<!tpu.dma_semaphore, #tpu.memory_space<semaphore_mem>>) attributes {dimension_semantics = [#tpu.dimension_semantics<core_parallel>, #tpu.dimension_semantics<subcore_parallel>], iteration_bounds = array<i64: 2, 16>, scalar_prefetch = 0 : i64, scratch_operands = 5 : i64, tpu.core_type = #tpu.core_type<sc_vector_subcore>, window_params = [{transform_indices = #map}, {transform_indices = #map}, {transform_indices = #map1}]} {
    %mul3A = arith.constant 2 : i32
    %mul3A_0 = arith.muli %arg1, %mul3A : i32
    %add3A = arith.addi %mul3A_0, %arg0 : i32
    %mul3A_1 = arith.constant 16 : i32
    %mul3A_2 = arith.muli %add3A, %mul3A_1 : i32
    %dma_start3A = arith.constant 0 : i32
    %dma_start3A_3 = tpu.memref_slice %arg2[%mul3A_2, %dma_start3A] : memref<512x512xf32, #tpu.memory_space<hbm>> -> memref<16x512xf32, #tpu.memory_space<hbm>>
    %dma_start3A_4 = arith.constant 0 : i32
    %dma_start3A_5 = tpu.memref_slice %arg2[%mul3A_2, %dma_start3A_4] : memref<512x512xf32, #tpu.memory_space<hbm>> -> memref<16x512xf32, #tpu.memory_space<hbm>>
    tpu.enqueue_dma source(%dma_start3A_5 : memref<16x512xf32, #tpu.memory_space<hbm>>) target(%arg5 : memref<16x512xf32, #tpu.memory_space<vmem>>) target_semaphore(%arg8 : memref<!tpu.dma_semaphore, #tpu.memory_space<semaphore_mem>>)
    %dma_start3A_6 = arith.constant 0 : i32
    %dma_start3A_7 = tpu.memref_slice %arg3[%mul3A_2, %dma_start3A_6] : memref<512x512xf32, #tpu.memory_space<hbm>> -> memref<16x512xf32, #tpu.memory_space<hbm>>
    %dma_start3A_8 = arith.constant 0 : i32
    %dma_start3A_9 = tpu.memref_slice %arg3[%mul3A_2, %dma_start3A_8] : memref<512x512xf32, #tpu.memory_space<hbm>> -> memref<16x512xf32, #tpu.memory_space<hbm>>
    tpu.enqueue_dma source(%dma_start3A_9 : memref<16x512xf32, #tpu.memory_space<hbm>>) target(%arg6 : memref<16x512xf32, #tpu.memory_space<vmem>>) target_semaphore(%arg8 : memref<!tpu.dma_semaphore, #tpu.memory_space<semaphore_mem>>)
    %dma_wait3A = arith.constant 0 : i32
    %dma_wait3A_10 = tpu.memref_slice %arg2[%mul3A_2, %dma_wait3A] : memref<512x512xf32, #tpu.memory_space<hbm>> -> memref<16x512xf32, #tpu.memory_space<hbm>>
    %dma_wait3A_11 = arith.constant 0 : i32
    %dma_wait3A_12 = tpu.memref_slice %arg2[%mul3A_2, %dma_wait3A_11] : memref<512x512xf32, #tpu.memory_space<hbm>> -> memref<16x512xf32, #tpu.memory_space<hbm>>
    tpu.wait_dma2 semaphore(%arg8 : memref<!tpu.dma_semaphore, #tpu.memory_space<semaphore_mem>>) src(%dma_wait3A_12 : memref<16x512xf32, #tpu.memory_space<hbm>>) dst(%arg5 : memref<16x512xf32, #tpu.memory_space<vmem>>)
    %dma_wait3A_13 = arith.constant 0 : i32
    %dma_wait3A_14 = tpu.memref_slice %arg3[%mul3A_2, %dma_wait3A_13] : memref<512x512xf32, #tpu.memory_space<hbm>> -> memref<16x512xf32, #tpu.memory_space<hbm>>
    %dma_wait3A_15 = arith.constant 0 : i32
    %dma_wait3A_16 = tpu.memref_slice %arg3[%mul3A_2, %dma_wait3A_15] : memref<512x512xf32, #tpu.memory_space<hbm>> -> memref<16x512xf32, #tpu.memory_space<hbm>>
    tpu.wait_dma2 semaphore(%arg8 : memref<!tpu.dma_semaphore, #tpu.memory_space<semaphore_mem>>) src(%dma_wait3A_16 : memref<16x512xf32, #tpu.memory_space<hbm>>) dst(%arg6 : memref<16x512xf32, #tpu.memory_space<vmem>>)
    %parallel_loop3A = arith.constant 0 : i32
    %parallel_loop3A_17 = arith.constant 512 : i32
    %parallel_loop3A_18 = arith.constant 1 : i32
    scf.for %parallel_loop3A_147 = %parallel_loop3A to %parallel_loop3A_17 step %parallel_loop3A_18  : i32 {
      %parallel_loop3A_148 = arith.constant 32 : i32
      %parallel_loop3A_149 = arith.divsi %parallel_loop3A_147, %parallel_loop3A_148 : i32
      %parallel_loop3A_150 = arith.constant 0 : i32
      %parallel_loop3A_151 = arith.cmpi sgt, %parallel_loop3A_147, %parallel_loop3A_150 : i32
      %parallel_loop3A_152 = arith.extui %parallel_loop3A_151 : i1 to i32
      %parallel_loop3A_153 = arith.constant 0 : i32
      %parallel_loop3A_154 = arith.cmpi slt, %parallel_loop3A_147, %parallel_loop3A_153 : i32
      %parallel_loop3A_155 = arith.extui %parallel_loop3A_154 : i1 to i32
      %parallel_loop3A_156 = arith.subi %parallel_loop3A_152, %parallel_loop3A_155 : i32
      %parallel_loop3A_157 = arith.constant 0 : i32
      %parallel_loop3A_158 = arith.cmpi sgt, %parallel_loop3A_148, %parallel_loop3A_157 : i32
      %parallel_loop3A_159 = arith.extui %parallel_loop3A_158 : i1 to i32
      %parallel_loop3A_160 = arith.constant 0 : i32
      %parallel_loop3A_161 = arith.cmpi slt, %parallel_loop3A_148, %parallel_loop3A_160 : i32
      %parallel_loop3A_162 = arith.extui %parallel_loop3A_161 : i1 to i32
      %parallel_loop3A_163 = arith.subi %parallel_loop3A_159, %parallel_loop3A_162 : i32
      %parallel_loop3A_164 = arith.cmpi ne, %parallel_loop3A_156, %parallel_loop3A_163 : i32
      %parallel_loop3A_165 = arith.remsi %parallel_loop3A_147, %parallel_loop3A_148 : i32
      %parallel_loop3A_166 = arith.constant 0 : i32
      %parallel_loop3A_167 = arith.cmpi ne, %parallel_loop3A_165, %parallel_loop3A_166 : i32
      %parallel_loop3A_168 = arith.andi %parallel_loop3A_164, %parallel_loop3A_167 : i1
      %parallel_loop3A_169 = arith.constant 1 : i32
      %parallel_loop3A_170 = arith.subi %parallel_loop3A_149, %parallel_loop3A_169 : i32
      %parallel_loop3A_171 = arith.select %parallel_loop3A_168, %parallel_loop3A_170, %parallel_loop3A_149 : i32
      %parallel_loop3A_172 = arith.constant 32 : i32
      %parallel_loop3A_173 = arith.constant 0 : i32
      %parallel_loop3A_174 = arith.cmpi eq, %parallel_loop3A_172, %parallel_loop3A_173 : i32
      %parallel_loop3A_175 = arith.constant 1 : i32
      %parallel_loop3A_176 = arith.select %parallel_loop3A_174, %parallel_loop3A_175, %parallel_loop3A_172 : i32
      %parallel_loop3A_177 = arith.remsi %parallel_loop3A_147, %parallel_loop3A_176 : i32
      %parallel_loop3A_178 = arith.constant 0 : i32
      %parallel_loop3A_179 = arith.cmpi ne, %parallel_loop3A_177, %parallel_loop3A_178 : i32
      %parallel_loop3A_180 = arith.constant 0 : i32
      %parallel_loop3A_181 = arith.cmpi slt, %parallel_loop3A_177, %parallel_loop3A_180 : i32
      %parallel_loop3A_182 = arith.constant 0 : i32
      %parallel_loop3A_183 = arith.cmpi slt, %parallel_loop3A_176, %parallel_loop3A_182 : i32
      %parallel_loop3A_184 = arith.xori %parallel_loop3A_181, %parallel_loop3A_183 : i1
      %parallel_loop3A_185 = arith.andi %parallel_loop3A_184, %parallel_loop3A_179 : i1
      %parallel_loop3A_186 = arith.addi %parallel_loop3A_177, %parallel_loop3A_176 : i32
      %parallel_loop3A_187 = arith.select %parallel_loop3A_185, %parallel_loop3A_186, %parallel_loop3A_177 : i32
      %parallel_loop3A_188 = arith.constant 16 : i32
      %parallel_loop3A_189 = arith.muli %parallel_loop3A_187, %parallel_loop3A_188 : i32
      %parallel_loop3A_190 = arith.index_cast %parallel_loop3A_171 : i32 to index
      %parallel_loop3A_191 = arith.index_cast %parallel_loop3A_189 : i32 to index
      %parallel_loop3A_192 = tpu.vector_load %arg5[%parallel_loop3A_190, %parallel_loop3A_191] {strides = array<i32>} : memref<16x512xf32, #tpu.memory_space<vmem>>, vector<1x16xf32>,
      %parallel_loop3A_193 = vector.shape_cast %parallel_loop3A_192 : vector<1x16xf32> to vector<16xf32>
      %parallel_loop3A_194 = arith.index_cast %parallel_loop3A_171 : i32 to index
      %parallel_loop3A_195 = arith.index_cast %parallel_loop3A_189 : i32 to index
      %parallel_loop3A_196 = tpu.vector_load %arg6[%parallel_loop3A_194, %parallel_loop3A_195] {strides = array<i32>} : memref<16x512xf32, #tpu.memory_space<vmem>>, vector<1x16xf32>,
      %parallel_loop3A_197 = vector.shape_cast %parallel_loop3A_196 : vector<1x16xf32> to vector<16xf32>
      %parallel_loop3A_198 = arith.constant 0.000000e+00 : f32
      %parallel_loop3A_199 = vector.broadcast %parallel_loop3A_198 : f32 to vector<16xf32>
      %parallel_loop3A_200 = arith.subf %parallel_loop3A_199, %parallel_loop3A_193 : vector<16xf32>
      %parallel_loop3A_201 = math.exp %parallel_loop3A_200 : vector<16xf32>
      %parallel_loop3A_202 = arith.constant 1.000000e+00 : f32
      %parallel_loop3A_203 = vector.broadcast %parallel_loop3A_202 : f32 to vector<16xf32>
      %parallel_loop3A_204 = arith.addf %parallel_loop3A_203, %parallel_loop3A_201 : vector<16xf32>
      %parallel_loop3A_205 = arith.constant 1.000000e+00 : f32
      %parallel_loop3A_206 = vector.broadcast %parallel_loop3A_205 : f32 to vector<16xf32>
      %parallel_loop3A_207 = arith.divf %parallel_loop3A_206, %parallel_loop3A_204 : vector<16xf32>
      %parallel_loop3A_208 = arith.constant 0.000000e+00 : f32
      %parallel_loop3A_209 = vector.broadcast %parallel_loop3A_208 : f32 to vector<16xf32>
      %parallel_loop3A_210 = arith.subf %parallel_loop3A_209, %parallel_loop3A_197 : vector<16xf32>
      %parallel_loop3A_211 = math.exp %parallel_loop3A_210 : vector<16xf32>
      %parallel_loop3A_212 = arith.constant 1.000000e+00 : f32
      %parallel_loop3A_213 = vector.broadcast %parallel_loop3A_212 : f32 to vector<16xf32>
      %parallel_loop3A_214 = arith.addf %parallel_loop3A_213, %parallel_loop3A_211 : vector<16xf32>
      %parallel_loop3A_215 = arith.constant 1.000000e+00 : f32
      %parallel_loop3A_216 = vector.broadcast %parallel_loop3A_215 : f32 to vector<16xf32>
      %parallel_loop3A_217 = arith.divf %parallel_loop3A_216, %parallel_loop3A_214 : vector<16xf32>
      %parallel_loop3A_218 = arith.addf %parallel_loop3A_207, %parallel_loop3A_217 : vector<16xf32>
      %parallel_loop3A_219 = arith.constant 5.000000e-01 : f32
      %parallel_loop3A_220 = vector.broadcast %parallel_loop3A_219 : f32 to vector<16xf32>
      %parallel_loop3A_221 = arith.mulf %parallel_loop3A_218, %parallel_loop3A_220 : vector<16xf32>
      %parallel_loop3A_222 = arith.constant 16 : i32
      %parallel_loop3A_223 = arith.muli %parallel_loop3A_147, %parallel_loop3A_222 : i32
      %parallel_loop3A_224 = arith.index_cast %parallel_loop3A_223 : i32 to index
      %parallel_loop3A_225 = tpu.vector_load %arg7[%parallel_loop3A_224] {strides = array<i32>} : memref<8192xf32, #tpu.memory_space<vmem>>, vector<16xf32>,
      %parallel_loop3A_226 = vector.shape_cast %parallel_loop3A_225 : vector<16xf32> to vector<16xf32>
      %parallel_loop3A_227 = vector.shape_cast %parallel_loop3A_221 : vector<16xf32> to vector<16xf32>
      tpu.vector_store %arg7[%parallel_loop3A_224], %parallel_loop3A_227 {strides = array<i32>} : memref<8192xf32, #tpu.memory_space<vmem>>, vector<16xf32>,
    } {sc.loop_unroll_factor = 8 : i64, sc.parallel_access}
    %mul3A_19 = arith.constant 8192 : i32
    %mul3A_20 = arith.muli %add3A, %mul3A_19 : i32
    %add3A_21 = arith.constant 0 : i32
    %add3A_22 = arith.addi %add3A_21, %mul3A_20 : i32
    %dma_start3A_23 = tpu.memref_slice %arg4[%add3A_22] : memref<4194304xf32, #tpu.memory_space<hbm>> -> memref<8192xf32, #tpu.memory_space<hbm>>
    %dma_start3A_24 = tpu.memref_slice %arg4[%add3A_22] : memref<4194304xf32, #tpu.memory_space<hbm>> -> memref<8192xf32, #tpu.memory_space<hbm>>
    tpu.enqueue_dma source(%arg7 : memref<8192xf32, #tpu.memory_space<vmem>>) target(%dma_start3A_24 : memref<8192xf32, #tpu.memory_space<hbm>>) target_semaphore(%arg9 : memref<!tpu.dma_semaphore, #tpu.memory_space<semaphore_mem>>)
    %mul3A_25 = arith.constant 8192 : i32
    %mul3A_26 = arith.muli %add3A, %mul3A_25 : i32
    %add3A_27 = arith.constant 262144 : i32
    %add3A_28 = arith.addi %add3A_27, %mul3A_26 : i32
    %dma_start3A_29 = tpu.memref_slice %arg4[%add3A_28] : memref<4194304xf32, #tpu.memory_space<hbm>> -> memref<8192xf32, #tpu.memory_space<hbm>>
    %dma_start3A_30 = tpu.memref_slice %arg4[%add3A_28] : memref<4194304xf32, #tpu.memory_space<hbm>> -> memref<8192xf32, #tpu.memory_space<hbm>>
    tpu.enqueue_dma source(%arg7 : memref<8192xf32, #tpu.memory_space<vmem>>) target(%dma_start3A_30 : memref<8192xf32, #tpu.memory_space<hbm>>) target_semaphore(%arg9 : memref<!tpu.dma_semaphore, #tpu.memory_space<semaphore_mem>>)
    %mul3A_31 = arith.constant 8192 : i32
    %mul3A_32 = arith.muli %add3A, %mul3A_31 : i32
    %add3A_33 = arith.constant 524288 : i32
    %add3A_34 = arith.addi %add3A_33, %mul3A_32 : i32
    %dma_start3A_35 = tpu.memref_slice %arg4[%add3A_34] : memref<4194304xf32, #tpu.memory_space<hbm>> -> memref<8192xf32, #tpu.memory_space<hbm>>
    %dma_start3A_36 = tpu.memref_slice %arg4[%add3A_34] : memref<4194304xf32, #tpu.memory_space<hbm>> -> memref<8192xf32, #tpu.memory_space<hbm>>
    tpu.enqueue_dma source(%arg7 : memref<8192xf32, #tpu.memory_space<vmem>>) target(%dma_start3A_36 : memref<8192xf32, #tpu.memory_space<hbm>>) target_semaphore(%arg9 : memref<!tpu.dma_semaphore, #tpu.memory_space<semaphore_mem>>)
    %mul3A_37 = arith.constant 8192 : i32
    %mul3A_38 = arith.muli %add3A, %mul3A_37 : i32
    %add3A_39 = arith.constant 786432 : i32
    %add3A_40 = arith.addi %add3A_39, %mul3A_38 : i32
    %dma_start3A_41 = tpu.memref_slice %arg4[%add3A_40] : memref<4194304xf32, #tpu.memory_space<hbm>> -> memref<8192xf32, #tpu.memory_space<hbm>>
    %dma_start3A_42 = tpu.memref_slice %arg4[%add3A_40] : memref<4194304xf32, #tpu.memory_space<hbm>> -> memref<8192xf32, #tpu.memory_space<hbm>>
    tpu.enqueue_dma source(%arg7 : memref<8192xf32, #tpu.memory_space<vmem>>) target(%dma_start3A_42 : memref<8192xf32, #tpu.memory_space<hbm>>) target_semaphore(%arg9 : memref<!tpu.dma_semaphore, #tpu.memory_space<semaphore_mem>>)
    %mul3A_43 = arith.constant 8192 : i32
    %mul3A_44 = arith.muli %add3A, %mul3A_43 : i32
    %add3A_45 = arith.constant 1048576 : i32
    %add3A_46 = arith.addi %add3A_45, %mul3A_44 : i32
    %dma_start3A_47 = tpu.memref_slice %arg4[%add3A_46] : memref<4194304xf32, #tpu.memory_space<hbm>> -> memref<8192xf32, #tpu.memory_space<hbm>>
    %dma_start3A_48 = tpu.memref_slice %arg4[%add3A_46] : memref<4194304xf32, #tpu.memory_space<hbm>> -> memref<8192xf32, #tpu.memory_space<hbm>>
    tpu.enqueue_dma source(%arg7 : memref<8192xf32, #tpu.memory_space<vmem>>) target(%dma_start3A_48 : memref<8192xf32, #tpu.memory_space<hbm>>) target_semaphore(%arg9 : memref<!tpu.dma_semaphore, #tpu.memory_space<semaphore_mem>>)
    %mul3A_49 = arith.constant 8192 : i32
    %mul3A_50 = arith.muli %add3A, %mul3A_49 : i32
    %add3A_51 = arith.constant 1310720 : i32
    %add3A_52 = arith.addi %add3A_51, %mul3A_50 : i32
    %dma_start3A_53 = tpu.memref_slice %arg4[%add3A_52] : memref<4194304xf32, #tpu.memory_space<hbm>> -> memref<8192xf32, #tpu.memory_space<hbm>>
    %dma_start3A_54 = tpu.memref_slice %arg4[%add3A_52] : memref<4194304xf32, #tpu.memory_space<hbm>> -> memref<8192xf32, #tpu.memory_space<hbm>>
    tpu.enqueue_dma source(%arg7 : memref<8192xf32, #tpu.memory_space<vmem>>) target(%dma_start3A_54 : memref<8192xf32, #tpu.memory_space<hbm>>) target_semaphore(%arg9 : memref<!tpu.dma_semaphore, #tpu.memory_space<semaphore_mem>>)
    %mul3A_55 = arith.constant 8192 : i32
    %mul3A_56 = arith.muli %add3A, %mul3A_55 : i32
    %add3A_57 = arith.constant 1572864 : i32
    %add3A_58 = arith.addi %add3A_57, %mul3A_56 : i32
    %dma_start3A_59 = tpu.memref_slice %arg4[%add3A_58] : memref<4194304xf32, #tpu.memory_space<hbm>> -> memref<8192xf32, #tpu.memory_space<hbm>>
    %dma_start3A_60 = tpu.memref_slice %arg4[%add3A_58] : memref<4194304xf32, #tpu.memory_space<hbm>> -> memref<8192xf32, #tpu.memory_space<hbm>>
    tpu.enqueue_dma source(%arg7 : memref<8192xf32, #tpu.memory_space<vmem>>) target(%dma_start3A_60 : memref<8192xf32, #tpu.memory_space<hbm>>) target_semaphore(%arg9 : memref<!tpu.dma_semaphore, #tpu.memory_space<semaphore_mem>>)
    %mul3A_61 = arith.constant 8192 : i32
    %mul3A_62 = arith.muli %add3A, %mul3A_61 : i32
    %add3A_63 = arith.constant 1835008 : i32
    %add3A_64 = arith.addi %add3A_63, %mul3A_62 : i32
    %dma_start3A_65 = tpu.memref_slice %arg4[%add3A_64] : memref<4194304xf32, #tpu.memory_space<hbm>> -> memref<8192xf32, #tpu.memory_space<hbm>>
    %dma_start3A_66 = tpu.memref_slice %arg4[%add3A_64] : memref<4194304xf32, #tpu.memory_space<hbm>> -> memref<8192xf32, #tpu.memory_space<hbm>>
    tpu.enqueue_dma source(%arg7 : memref<8192xf32, #tpu.memory_space<vmem>>) target(%dma_start3A_66 : memref<8192xf32, #tpu.memory_space<hbm>>) target_semaphore(%arg9 : memref<!tpu.dma_semaphore, #tpu.memory_space<semaphore_mem>>)
    %mul3A_67 = arith.constant 8192 : i32
    %mul3A_68 = arith.muli %add3A, %mul3A_67 : i32
    %add3A_69 = arith.constant 2097152 : i32
    %add3A_70 = arith.addi %add3A_69, %mul3A_68 : i32
    %dma_start3A_71 = tpu.memref_slice %arg4[%add3A_70] : memref<4194304xf32, #tpu.memory_space<hbm>> -> memref<8192xf32, #tpu.memory_space<hbm>>
    %dma_start3A_72 = tpu.memref_slice %arg4[%add3A_70] : memref<4194304xf32, #tpu.memory_space<hbm>> -> memref<8192xf32, #tpu.memory_space<hbm>>
    tpu.enqueue_dma source(%arg7 : memref<8192xf32, #tpu.memory_space<vmem>>) target(%dma_start3A_72 : memref<8192xf32, #tpu.memory_space<hbm>>) target_semaphore(%arg9 : memref<!tpu.dma_semaphore, #tpu.memory_space<semaphore_mem>>)
    %mul3A_73 = arith.constant 8192 : i32
    %mul3A_74 = arith.muli %add3A, %mul3A_73 : i32
    %add3A_75 = arith.constant 2359296 : i32
    %add3A_76 = arith.addi %add3A_75, %mul3A_74 : i32
    %dma_start3A_77 = tpu.memref_slice %arg4[%add3A_76] : memref<4194304xf32, #tpu.memory_space<hbm>> -> memref<8192xf32, #tpu.memory_space<hbm>>
    %dma_start3A_78 = tpu.memref_slice %arg4[%add3A_76] : memref<4194304xf32, #tpu.memory_space<hbm>> -> memref<8192xf32, #tpu.memory_space<hbm>>
    tpu.enqueue_dma source(%arg7 : memref<8192xf32, #tpu.memory_space<vmem>>) target(%dma_start3A_78 : memref<8192xf32, #tpu.memory_space<hbm>>) target_semaphore(%arg9 : memref<!tpu.dma_semaphore, #tpu.memory_space<semaphore_mem>>)
    %mul3A_79 = arith.constant 8192 : i32
    %mul3A_80 = arith.muli %add3A, %mul3A_79 : i32
    %add3A_81 = arith.constant 2621440 : i32
    %add3A_82 = arith.addi %add3A_81, %mul3A_80 : i32
    %dma_start3A_83 = tpu.memref_slice %arg4[%add3A_82] : memref<4194304xf32, #tpu.memory_space<hbm>> -> memref<8192xf32, #tpu.memory_space<hbm>>
    %dma_start3A_84 = tpu.memref_slice %arg4[%add3A_82] : memref<4194304xf32, #tpu.memory_space<hbm>> -> memref<8192xf32, #tpu.memory_space<hbm>>
    tpu.enqueue_dma source(%arg7 : memref<8192xf32, #tpu.memory_space<vmem>>) target(%dma_start3A_84 : memref<8192xf32, #tpu.memory_space<hbm>>) target_semaphore(%arg9 : memref<!tpu.dma_semaphore, #tpu.memory_space<semaphore_mem>>)
    %mul3A_85 = arith.constant 8192 : i32
    %mul3A_86 = arith.muli %add3A, %mul3A_85 : i32
    %add3A_87 = arith.constant 2883584 : i32
    %add3A_88 = arith.addi %add3A_87, %mul3A_86 : i32
    %dma_start3A_89 = tpu.memref_slice %arg4[%add3A_88] : memref<4194304xf32, #tpu.memory_space<hbm>> -> memref<8192xf32, #tpu.memory_space<hbm>>
    %dma_start3A_90 = tpu.memref_slice %arg4[%add3A_88] : memref<4194304xf32, #tpu.memory_space<hbm>> -> memref<8192xf32, #tpu.memory_space<hbm>>
    tpu.enqueue_dma source(%arg7 : memref<8192xf32, #tpu.memory_space<vmem>>) target(%dma_start3A_90 : memref<8192xf32, #tpu.memory_space<hbm>>) target_semaphore(%arg9 : memref<!tpu.dma_semaphore, #tpu.memory_space<semaphore_mem>>)
    %mul3A_91 = arith.constant 8192 : i32
    %mul3A_92 = arith.muli %add3A, %mul3A_91 : i32
    %add3A_93 = arith.constant 3145728 : i32
    %add3A_94 = arith.addi %add3A_93, %mul3A_92 : i32
    %dma_start3A_95 = tpu.memref_slice %arg4[%add3A_94] : memref<4194304xf32, #tpu.memory_space<hbm>> -> memref<8192xf32, #tpu.memory_space<hbm>>
    %dma_start3A_96 = tpu.memref_slice %arg4[%add3A_94] : memref<4194304xf32, #tpu.memory_space<hbm>> -> memref<8192xf32, #tpu.memory_space<hbm>>
    tpu.enqueue_dma source(%arg7 : memref<8192xf32, #tpu.memory_space<vmem>>) target(%dma_start3A_96 : memref<8192xf32, #tpu.memory_space<hbm>>) target_semaphore(%arg9 : memref<!tpu.dma_semaphore, #tpu.memory_space<semaphore_mem>>)
    %mul3A_97 = arith.constant 8192 : i32
    %mul3A_98 = arith.muli %add3A, %mul3A_97 : i32
    %add3A_99 = arith.constant 3407872 : i32
    %add3A_100 = arith.addi %add3A_99, %mul3A_98 : i32
    %dma_start3A_101 = tpu.memref_slice %arg4[%add3A_100] : memref<4194304xf32, #tpu.memory_space<hbm>> -> memref<8192xf32, #tpu.memory_space<hbm>>
    %dma_start3A_102 = tpu.memref_slice %arg4[%add3A_100] : memref<4194304xf32, #tpu.memory_space<hbm>> -> memref<8192xf32, #tpu.memory_space<hbm>>
    tpu.enqueue_dma source(%arg7 : memref<8192xf32, #tpu.memory_space<vmem>>) target(%dma_start3A_102 : memref<8192xf32, #tpu.memory_space<hbm>>) target_semaphore(%arg9 : memref<!tpu.dma_semaphore, #tpu.memory_space<semaphore_mem>>)
    %mul3A_103 = arith.constant 8192 : i32
    %mul3A_104 = arith.muli %add3A, %mul3A_103 : i32
    %add3A_105 = arith.constant 3670016 : i32
    %add3A_106 = arith.addi %add3A_105, %mul3A_104 : i32
    %dma_start3A_107 = tpu.memref_slice %arg4[%add3A_106] : memref<4194304xf32, #tpu.memory_space<hbm>> -> memref<8192xf32, #tpu.memory_space<hbm>>
    %dma_start3A_108 = tpu.memref_slice %arg4[%add3A_106] : memref<4194304xf32, #tpu.memory_space<hbm>> -> memref<8192xf32, #tpu.memory_space<hbm>>
    tpu.enqueue_dma source(%arg7 : memref<8192xf32, #tpu.memory_space<vmem>>) target(%dma_start3A_108 : memref<8192xf32, #tpu.memory_space<hbm>>) target_semaphore(%arg9 : memref<!tpu.dma_semaphore, #tpu.memory_space<semaphore_mem>>)
    %mul3A_109 = arith.constant 8192 : i32
    %mul3A_110 = arith.muli %add3A, %mul3A_109 : i32
    %add3A_111 = arith.constant 3932160 : i32
    %add3A_112 = arith.addi %add3A_111, %mul3A_110 : i32
    %dma_start3A_113 = tpu.memref_slice %arg4[%add3A_112] : memref<4194304xf32, #tpu.memory_space<hbm>> -> memref<8192xf32, #tpu.memory_space<hbm>>
    %dma_start3A_114 = tpu.memref_slice %arg4[%add3A_112] : memref<4194304xf32, #tpu.memory_space<hbm>> -> memref<8192xf32, #tpu.memory_space<hbm>>
    tpu.enqueue_dma source(%arg7 : memref<8192xf32, #tpu.memory_space<vmem>>) target(%dma_start3A_114 : memref<8192xf32, #tpu.memory_space<hbm>>) target_semaphore(%arg9 : memref<!tpu.dma_semaphore, #tpu.memory_space<semaphore_mem>>)
    %dma_wait3A_115 = tpu.memref_slice %arg4[%add3A_22] : memref<4194304xf32, #tpu.memory_space<hbm>> -> memref<8192xf32, #tpu.memory_space<hbm>>
    %dma_wait3A_116 = tpu.memref_slice %arg4[%add3A_22] : memref<4194304xf32, #tpu.memory_space<hbm>> -> memref<8192xf32, #tpu.memory_space<hbm>>
    tpu.wait_dma2 semaphore(%arg9 : memref<!tpu.dma_semaphore, #tpu.memory_space<semaphore_mem>>) src(%arg7 : memref<8192xf32, #tpu.memory_space<vmem>>) dst(%dma_wait3A_116 : memref<8192xf32, #tpu.memory_space<hbm>>)
    %dma_wait3A_117 = tpu.memref_slice %arg4[%add3A_28] : memref<4194304xf32, #tpu.memory_space<hbm>> -> memref<8192xf32, #tpu.memory_space<hbm>>
    %dma_wait3A_118 = tpu.memref_slice %arg4[%add3A_28] : memref<4194304xf32, #tpu.memory_space<hbm>> -> memref<8192xf32, #tpu.memory_space<hbm>>
    tpu.wait_dma2 semaphore(%arg9 : memref<!tpu.dma_semaphore, #tpu.memory_space<semaphore_mem>>) src(%arg7 : memref<8192xf32, #tpu.memory_space<vmem>>) dst(%dma_wait3A_118 : memref<8192xf32, #tpu.memory_space<hbm>>)
    %dma_wait3A_119 = tpu.memref_slice %arg4[%add3A_34] : memref<4194304xf32, #tpu.memory_space<hbm>> -> memref<8192xf32, #tpu.memory_space<hbm>>
    %dma_wait3A_120 = tpu.memref_slice %arg4[%add3A_34] : memref<4194304xf32, #tpu.memory_space<hbm>> -> memref<8192xf32, #tpu.memory_space<hbm>>
    tpu.wait_dma2 semaphore(%arg9 : memref<!tpu.dma_semaphore, #tpu.memory_space<semaphore_mem>>) src(%arg7 : memref<8192xf32, #tpu.memory_space<vmem>>) dst(%dma_wait3A_120 : memref<8192xf32, #tpu.memory_space<hbm>>)
    %dma_wait3A_121 = tpu.memref_slice %arg4[%add3A_40] : memref<4194304xf32, #tpu.memory_space<hbm>> -> memref<8192xf32, #tpu.memory_space<hbm>>
    %dma_wait3A_122 = tpu.memref_slice %arg4[%add3A_40] : memref<4194304xf32, #tpu.memory_space<hbm>> -> memref<8192xf32, #tpu.memory_space<hbm>>
    tpu.wait_dma2 semaphore(%arg9 : memref<!tpu.dma_semaphore, #tpu.memory_space<semaphore_mem>>) src(%arg7 : memref<8192xf32, #tpu.memory_space<vmem>>) dst(%dma_wait3A_122 : memref<8192xf32, #tpu.memory_space<hbm>>)
    %dma_wait3A_123 = tpu.memref_slice %arg4[%add3A_46] : memref<4194304xf32, #tpu.memory_space<hbm>> -> memref<8192xf32, #tpu.memory_space<hbm>>
    %dma_wait3A_124 = tpu.memref_slice %arg4[%add3A_46] : memref<4194304xf32, #tpu.memory_space<hbm>> -> memref<8192xf32, #tpu.memory_space<hbm>>
    tpu.wait_dma2 semaphore(%arg9 : memref<!tpu.dma_semaphore, #tpu.memory_space<semaphore_mem>>) src(%arg7 : memref<8192xf32, #tpu.memory_space<vmem>>) dst(%dma_wait3A_124 : memref<8192xf32, #tpu.memory_space<hbm>>)
    %dma_wait3A_125 = tpu.memref_slice %arg4[%add3A_52] : memref<4194304xf32, #tpu.memory_space<hbm>> -> memref<8192xf32, #tpu.memory_space<hbm>>
    %dma_wait3A_126 = tpu.memref_slice %arg4[%add3A_52] : memref<4194304xf32, #tpu.memory_space<hbm>> -> memref<8192xf32, #tpu.memory_space<hbm>>
    tpu.wait_dma2 semaphore(%arg9 : memref<!tpu.dma_semaphore, #tpu.memory_space<semaphore_mem>>) src(%arg7 : memref<8192xf32, #tpu.memory_space<vmem>>) dst(%dma_wait3A_126 : memref<8192xf32, #tpu.memory_space<hbm>>)
    %dma_wait3A_127 = tpu.memref_slice %arg4[%add3A_58] : memref<4194304xf32, #tpu.memory_space<hbm>> -> memref<8192xf32, #tpu.memory_space<hbm>>
    %dma_wait3A_128 = tpu.memref_slice %arg4[%add3A_58] : memref<4194304xf32, #tpu.memory_space<hbm>> -> memref<8192xf32, #tpu.memory_space<hbm>>
    tpu.wait_dma2 semaphore(%arg9 : memref<!tpu.dma_semaphore, #tpu.memory_space<semaphore_mem>>) src(%arg7 : memref<8192xf32, #tpu.memory_space<vmem>>) dst(%dma_wait3A_128 : memref<8192xf32, #tpu.memory_space<hbm>>)
    %dma_wait3A_129 = tpu.memref_slice %arg4[%add3A_64] : memref<4194304xf32, #tpu.memory_space<hbm>> -> memref<8192xf32, #tpu.memory_space<hbm>>
    %dma_wait3A_130 = tpu.memref_slice %arg4[%add3A_64] : memref<4194304xf32, #tpu.memory_space<hbm>> -> memref<8192xf32, #tpu.memory_space<hbm>>
    tpu.wait_dma2 semaphore(%arg9 : memref<!tpu.dma_semaphore, #tpu.memory_space<semaphore_mem>>) src(%arg7 : memref<8192xf32, #tpu.memory_space<vmem>>) dst(%dma_wait3A_130 : memref<8192xf32, #tpu.memory_space<hbm>>)
    %dma_wait3A_131 = tpu.memref_slice %arg4[%add3A_70] : memref<4194304xf32, #tpu.memory_space<hbm>> -> memref<8192xf32, #tpu.memory_space<hbm>>
    %dma_wait3A_132 = tpu.memref_slice %arg4[%add3A_70] : memref<4194304xf32, #tpu.memory_space<hbm>> -> memref<8192xf32, #tpu.memory_space<hbm>>
    tpu.wait_dma2 semaphore(%arg9 : memref<!tpu.dma_semaphore, #tpu.memory_space<semaphore_mem>>) src(%arg7 : memref<8192xf32, #tpu.memory_space<vmem>>) dst(%dma_wait3A_132 : memref<8192xf32, #tpu.memory_space<hbm>>)
    %dma_wait3A_133 = tpu.memref_slice %arg4[%add3A_76] : memref<4194304xf32, #tpu.memory_space<hbm>> -> memref<8192xf32, #tpu.memory_space<hbm>>
    %dma_wait3A_134 = tpu.memref_slice %arg4[%add3A_76] : memref<4194304xf32, #tpu.memory_space<hbm>> -> memref<8192xf32, #tpu.memory_space<hbm>>
    tpu.wait_dma2 semaphore(%arg9 : memref<!tpu.dma_semaphore, #tpu.memory_space<semaphore_mem>>) src(%arg7 : memref<8192xf32, #tpu.memory_space<vmem>>) dst(%dma_wait3A_134 : memref<8192xf32, #tpu.memory_space<hbm>>)
    %dma_wait3A_135 = tpu.memref_slice %arg4[%add3A_82] : memref<4194304xf32, #tpu.memory_space<hbm>> -> memref<8192xf32, #tpu.memory_space<hbm>>
    %dma_wait3A_136 = tpu.memref_slice %arg4[%add3A_82] : memref<4194304xf32, #tpu.memory_space<hbm>> -> memref<8192xf32, #tpu.memory_space<hbm>>
    tpu.wait_dma2 semaphore(%arg9 : memref<!tpu.dma_semaphore, #tpu.memory_space<semaphore_mem>>) src(%arg7 : memref<8192xf32, #tpu.memory_space<vmem>>) dst(%dma_wait3A_136 : memref<8192xf32, #tpu.memory_space<hbm>>)
    %dma_wait3A_137 = tpu.memref_slice %arg4[%add3A_88] : memref<4194304xf32, #tpu.memory_space<hbm>> -> memref<8192xf32, #tpu.memory_space<hbm>>
    %dma_wait3A_138 = tpu.memref_slice %arg4[%add3A_88] : memref<4194304xf32, #tpu.memory_space<hbm>> -> memref<8192xf32, #tpu.memory_space<hbm>>
    tpu.wait_dma2 semaphore(%arg9 : memref<!tpu.dma_semaphore, #tpu.memory_space<semaphore_mem>>) src(%arg7 : memref<8192xf32, #tpu.memory_space<vmem>>) dst(%dma_wait3A_138 : memref<8192xf32, #tpu.memory_space<hbm>>)
    %dma_wait3A_139 = tpu.memref_slice %arg4[%add3A_94] : memref<4194304xf32, #tpu.memory_space<hbm>> -> memref<8192xf32, #tpu.memory_space<hbm>>
    %dma_wait3A_140 = tpu.memref_slice %arg4[%add3A_94] : memref<4194304xf32, #tpu.memory_space<hbm>> -> memref<8192xf32, #tpu.memory_space<hbm>>
    tpu.wait_dma2 semaphore(%arg9 : memref<!tpu.dma_semaphore, #tpu.memory_space<semaphore_mem>>) src(%arg7 : memref<8192xf32, #tpu.memory_space<vmem>>) dst(%dma_wait3A_140 : memref<8192xf32, #tpu.memory_space<hbm>>)
    %dma_wait3A_141 = tpu.memref_slice %arg4[%add3A_100] : memref<4194304xf32, #tpu.memory_space<hbm>> -> memref<8192xf32, #tpu.memory_space<hbm>>
    %dma_wait3A_142 = tpu.memref_slice %arg4[%add3A_100] : memref<4194304xf32, #tpu.memory_space<hbm>> -> memref<8192xf32, #tpu.memory_space<hbm>>
    tpu.wait_dma2 semaphore(%arg9 : memref<!tpu.dma_semaphore, #tpu.memory_space<semaphore_mem>>) src(%arg7 : memref<8192xf32, #tpu.memory_space<vmem>>) dst(%dma_wait3A_142 : memref<8192xf32, #tpu.memory_space<hbm>>)
    %dma_wait3A_143 = tpu.memref_slice %arg4[%add3A_106] : memref<4194304xf32, #tpu.memory_space<hbm>> -> memref<8192xf32, #tpu.memory_space<hbm>>
    %dma_wait3A_144 = tpu.memref_slice %arg4[%add3A_106] : memref<4194304xf32, #tpu.memory_space<hbm>> -> memref<8192xf32, #tpu.memory_space<hbm>>
    tpu.wait_dma2 semaphore(%arg9 : memref<!tpu.dma_semaphore, #tpu.memory_space<semaphore_mem>>) src(%arg7 : memref<8192xf32, #tpu.memory_space<vmem>>) dst(%dma_wait3A_144 : memref<8192xf32, #tpu.memory_space<hbm>>)
    %dma_wait3A_145 = tpu.memref_slice %arg4[%add3A_112] : memref<4194304xf32, #tpu.memory_space<hbm>> -> memref<8192xf32, #tpu.memory_space<hbm>>
    %dma_wait3A_146 = tpu.memref_slice %arg4[%add3A_112] : memref<4194304xf32, #tpu.memory_space<hbm>> -> memref<8192xf32, #tpu.memory_space<hbm>>
    tpu.wait_dma2 semaphore(%arg9 : memref<!tpu.dma_semaphore, #tpu.memory_space<semaphore_mem>>) src(%arg7 : memref<8192xf32, #tpu.memory_space<vmem>>) dst(%dma_wait3A_146 : memref<8192xf32, #tpu.memory_space<hbm>>)
    return
  }
}

module attributes {stable_mosaic.version = 14 : i64} {
  func.func @_edge_index_body(%arg0: i32, %arg1: memref<2x262144xi32, #tpu.memory_space<vmem>>, %arg2: memref<2x262144xi32, #tpu.memory_space<vmem>>) attributes {dimension_semantics = [#tpu.dimension_semantics<arbitrary>], iteration_bounds = array<i64: 16>, scalar_prefetch = 0 : i64, scratch_operands = 1 : i64, tpu.core_type = #tpu.core_type<tc>, window_params = [{transform_indices = @transform_0, window_bounds = array<i64: 2, 262144>}]} {
    %eq3A = arith.constant 0 : i32
    %eq3A_0 = arith.cmpi eq, %arg0, %eq3A : i32
    %convert_element_type3A = arith.extui %eq3A_0 : i1 to i32
    %cond3A = arith.constant 0 : i32
    %cond3A_1 = arith.cmpi ne, %convert_element_type3A, %cond3A : i32
    scf.if %cond3A_1 {
      %iota3A = tpu.iota {dimensions = array<i32: 1>} : vector<2x262144xi32>
      %iota3A_8 = tpu.iota {dimensions = array<i32: 0>} : vector<2x262144xi32>
      %shift_right_arithmetic3A = arith.constant 9 : i32
      %shift_right_arithmetic3A_9 = vector.broadcast %shift_right_arithmetic3A : i32 to vector<2x262144xi32>
      %shift_right_arithmetic3A_10 = arith.shrsi %iota3A, %shift_right_arithmetic3A_9 : vector<2x262144xi32>
      %and3A = arith.constant 511 : i32
      %and3A_11 = vector.broadcast %and3A : i32 to vector<2x262144xi32>
      %and3A_12 = arith.andi %iota3A, %and3A_11 : vector<2x262144xi32>
      %eq3A_13 = arith.constant 0 : i32
      %eq3A_14 = vector.broadcast %eq3A_13 : i32 to vector<2x262144xi32>
      %eq3A_15 = arith.cmpi eq, %iota3A_8, %eq3A_14 : vector<2x262144xi32>
      %select_n3A = arith.select %eq3A_15, %shift_right_arithmetic3A_10, %and3A_12 : vector<2x262144xi1>, vector<2x262144xi32>
      %swap3A_16 = arith.constant 0 : index
      %swap3A_17 = arith.constant 0 : index
      %swap3A_18 = vector.load %arg2[%swap3A_16, %swap3A_17] : memref<2x262144xi32, #tpu.memory_space<vmem>>, vector<2x262144xi32>
      tpu.vector_store %arg2[%swap3A_16, %swap3A_17], %select_n3A {strides = array<i32>} : memref<2x262144xi32, #tpu.memory_space<vmem>>, vector<2x262144xi32>,
    } else {
    }
    %get3A = arith.constant 0 : index
    %get3A_2 = arith.constant 0 : index
    %get3A_3 = vector.load %arg2[%get3A, %get3A_2] : memref<2x262144xi32, #tpu.memory_space<vmem>>, vector<2x262144xi32>
    %mul3A = arith.constant 512 : i32
    %mul3A_4 = arith.muli %arg0, %mul3A : i32
    %add3A = vector.broadcast %mul3A_4 : i32 to vector<2x262144xi32>
    %add3A_5 = arith.addi %get3A_3, %add3A : vector<2x262144xi32>
    %swap3A = arith.constant 0 : index
    %swap3A_6 = arith.constant 0 : index
    %swap3A_7 = vector.load %arg1[%swap3A, %swap3A_6] : memref<2x262144xi32, #tpu.memory_space<vmem>>, vector<2x262144xi32>
    tpu.vector_store %arg1[%swap3A, %swap3A_6], %add3A_5 {strides = array<i32>} : memref<2x262144xi32, #tpu.memory_space<vmem>>, vector<2x262144xi32>,
    return
  }
  func.func @transform_0(%arg0: i32) -> (i32, i32) {
    %c0_i32 = arith.constant 0 : i32
    %c0_i32_0 = arith.constant 0 : i32
    return %c0_i32, %arg0 : i32, i32
  }
}

</mosaic_0001>

<sc_bundles>
// kernel: kernel.4.cloned.1.call-start
scs
__scs_entry_jumppad:
0x0: {  	(pc) =	sbr.rel $0x88, $3  }
0x1: {  	(tag) =	ssettag $0x0;
	lr =	simm.s32 $0x1  }
0x2: {  	[smem:$0x3F9F] =	sst lr;
	_ =	strace $0xD0000000  }
0x3: {  	_ = 	snop  }
0x4: {  	_ = 	snop  }
0x5: {  	_ = 	snop  }
0x6: {  	_ = 	snop  }
0x7: {  	_ = 	snop  }
__scs_overlays_trampoline_lowered:
0x8: {  	[smem:$0x3FAE] =	sst s0  }
0x9: {  	[smem:$0x3FAF] =	sst s1  }
0xa: {  	[smem:$0x3FB0] =	sst s2  }
0xb: {  	[smem:$0x3FB1] =	sst s3  }
0xc: {  	[smem:$0x3FB2] =	sst s4  }
0xd: {  	[smem:$0x3FB3] =	sst s5  }
0xe: {  	[smem:$0x3FB4] =	sst s6  }
0xf: {  	[smem:$0x3FB5] =	sst s7  }
0x10: {  	[smem:$0x3FB6] =	sst s8  }
0x11: {  	[smem:$0x3FB7] =	sst s9;
	s0 =	simm.s32 @!p0 $0x0  }
0x12: {  	s1 =	sld [smem:$0x3F9D];
	s0 =	simm.s32 @p0 $0x1  }
0x13: {  	[smem:$0x3FB8] =	sst s0;
	s0 =	simm.s32 @!p1 $0x0  }
0x14: {  	s2 =	sld [smem:$0x3F9C];
	s0 =	simm.s32 @p1 $0x1  }
0x15: {  	[smem:$0x3FB9] =	sst s0;
	s0 =	simm.s32 @!p2 $0x0  }
0x16: {  	s3 =	sld [smem:$0x3FDB];
	s0 =	simm.s32 @p2 $0x1  }
0x17: {  	s4 =	simm.s32 $0x1BF5;
	[smem:$0x3FBB] =	sst s0  }
0x18: {  	s0 =	sld [smem:$0x3F9E];
	_ =	swait.ge [sflag:s4], $0x0  }
0x19: {  	s7 =	sld [smem:$0x3F9F]  }
0x1a: {  	s8 =	sadd.s32 $0xFFFFE003, lr  }
0x1b: {  	s9 =	sadd.s32 $0xFFFFFEF7, lr;
	s5 =	simm.s32 $0xFFFFFFFF;
	p2 =	slt.u32 s8, $0xFFFFF086  }
0x1c: {  	p1 =	slt.u32 s9, $0xF7A;
	s5 =	simm.s32 @!p2 $0x0  }
0x1d: {  	s5 =	simm.s32 @p1 $0x1;
	p0 =	seq.s32 s7, s2  }
0x1e: {  	s7 =	smul.u32 @!p0 $0xF7A, s2;
	p2 =	seq.s32 @!p0 s5, $0x0  }
0x1f: {  	s9 =	smul.u32 $0xF7A, s1;
	s8 =	simm.s32 @!p0 $0x1BF5;
	p2 =	por !p2, p0  }
0x20: {  	[sflag:s8] =	ssyncset.s32 @!p0 $0xFFFFF086;
	s6 =	sadd.s32 @!p0 s3, s7;
	s7 =	simm.s32 @!p0 $0x108  }
0x21: {  	s3 =	sadd.s32 s3, s9;
	s6 =	sadd.s32 @!p0 $0x88, s6;
	s7 =	simm.s32 @p2 $0x1082  }
0x22: {  	[simem:s7], [sflag:s8] =	dma.local @!p0 [hbm:s6], $0xF7A  }
0x23: {  	s9 =	sor.u32 $0xD0000000, s2;
	s6 =	simm.s32 $0x108;
	_ =	swait.ge @!p0 [sflag:s8], $0x0  }
0x24: {  	s3 =	sadd.s32 $0x88, s3;
	s6 =	simm.s32 @!p1 $0x1082;
	[sflag:s4] =	ssyncset.s32 $0xFFFFF086  }
0x25: {  	[simem:s6], [sflag:s4] =	dma.local [hbm:s3], $0xF7A  }
0x26: {  	[smem:$0x3F9F] =	sst s1;
	(tag) =	ssettag s2;
	_ =	strace s9  }
0x27: {  	s1 =	sld [smem:$0x3FAF]  }
0x28: {  	s2 =	sld [smem:$0x3FB0]  }
0x29: {  	s4 =	sld [smem:$0x3FB2]  }
0x2a: {  	p0 =	seq.s32 s5, $0x0;
	s5 =	sld [smem:$0x3FB3]  }
0x2b: {  	s6 =	sld [smem:$0x3FB4]  }
0x2c: {  	s7 =	sld [smem:$0x3FB5]  }
0x2d: {  	s3 =	simm.s32 $0x108;
	s8 =	sld [smem:$0x3FB6]  }
0x2e: {  	s3 =	simm.s32 @!p0 $0x1082;
	s9 =	sld [smem:$0x3FB7]  }
0x2f: {  	lr =	sadd.s32 s0, s3;
	s0 =	sld [smem:$0x3FAE]  }
0x30: {  	s3 =	sld [smem:$0x3FB1]  }
0x31: {  	[smem:$0x3FBA] =	sst s10  }
0x32: {  	s10 =	sld [smem:$0x3FB8];
	_ =	sdelay $0x3  }
0x33: {  	p0 =	seq.s32 s10, $0x1;
	s10 =	sld [smem:$0x3FBA];
	_ =	sdelay $0x3  }
0x34: {  	[smem:$0x3FBA] =	sst s10  }
0x35: {  	s10 =	sld [smem:$0x3FB9];
	_ =	sdelay $0x3  }
0x36: {  	p1 =	seq.s32 s10, $0x1;
	s10 =	sld [smem:$0x3FBA];
	_ =	sdelay $0x3  }
0x37: {  	[smem:$0x3FBA] =	sst s10  }
0x38: {  	s10 =	sld [smem:$0x3FBB]  }
0x39: {  	_ = 	snop;
	(pc) =	sbr.ind lr, $3  }
0x3a: {  	_ = 	snop  }
0x3b: {  	_ = 	snop  }
0x3c: {  	p2 =	seq.s32 s10, $0x1;
	s10 =	sld [smem:$0x3FBA]  }
0x3d: {  	_ =	shalt  }
0x3e: {  	_ =	shalt  }
0x3f: {  	_ =	shalt  }
0x40: {  	_ =	shalt  }
0x41: {  	_ =	shalt  }
0x42: {  	_ =	shalt  }
0x43: {  	_ =	shalt  }
0x44: {  	_ =	shalt  }
0x45: {  	_ =	shalt  }
0x46: {  	_ =	shalt  }
0x47: {  	_ =	shalt  }
0x48: {  	_ =	shalt  }
0x49: {  	_ =	shalt  }
0x4a: {  	_ =	shalt  }
0x4b: {  	_ =	shalt  }
0x4c: {  	_ =	shalt  }
0x4d: {  	_ =	shalt  }
0x4e: {  	_ =	shalt  }
0x4f: {  	_ =	shalt  }
0x50: {  	_ =	shalt  }
0x51: {  	_ =	shalt  }
0x52: {  	_ =	shalt  }
0x53: {  	_ =	shalt  }
0x54: {  	_ =	shalt  }
0x55: {  	_ =	shalt  }
0x56: {  	_ =	shalt  }
0x57: {  	_ =	shalt  }
0x58: {  	_ =	shalt  }
0x59: {  	_ =	shalt  }
0x5a: {  	_ =	shalt  }
0x5b: {  	_ =	shalt  }
0x5c: {  	_ =	shalt  }
0x5d: {  	_ =	shalt  }
0x5e: {  	_ =	shalt  }
0x5f: {  	_ =	shalt  }
0x60: {  	_ =	shalt  }
0x61: {  	_ =	shalt  }
0x62: {  	_ =	shalt  }
0x63: {  	_ =	shalt  }
0x64: {  	_ =	shalt  }
0x65: {  	_ =	shalt  }
0x66: {  	_ =	shalt  }
0x67: {  	_ =	shalt  }
0x68: {  	_ =	shalt  }
0x69: {  	_ =	shalt  }
0x6a: {  	_ =	shalt  }
0x6b: {  	_ =	shalt  }
0x6c: {  	_ =	shalt  }
0x6d: {  	_ =	shalt  }
0x6e: {  	_ =	shalt  }
0x6f: {  	_ =	shalt  }
0x70: {  	_ =	shalt  }
0x71: {  	_ =	shalt  }
0x72: {  	_ =	shalt  }
0x73: {  	_ =	shalt  }
0x74: {  	_ =	shalt  }
0x75: {  	_ =	shalt  }
0x76: {  	_ =	shalt  }
0x77: {  	_ =	shalt  }
0x78: {  	_ =	shalt  }
0x79: {  	_ =	shalt  }
0x7a: {  	_ =	shalt  }
0x7b: {  	_ =	shalt  }
0x7c: {  	_ =	shalt  }
0x7d: {  	_ =	shalt  }
0x7e: {  	_ =	shalt  }
0x7f: {  	_ =	shalt  }
0x80: {  	_ =	shalt  }
0x81: {  	_ =	shalt  }
0x82: {  	_ =	shalt  }
0x83: {  	_ =	shalt  }
0x84: {  	_ =	shalt  }
0x85: {  	_ =	shalt  }
0x86: {  	_ =	shalt  }
0x87: {  	_ =	shalt  }
.Lfunc_end0:
.L_simem_size_0:
called_computation_lowered:
.L_overlay_start_0:
0x88: {  	s2 =	sld [smem:$0x3FD9]  }
0x89: {  	s3 =	sld [smem:$0x3FFE];
	_ =	sdelay $0x1  }
0x8a: {  	s1 =	srdreg.scid  }
0x8b: {  	s0 =	sand.u32 $0x1, s1  }
0x8c: {  	s15 =	sshll.u32 s0, $0xA;
	s2 =	sadd.s32 s3, s2  }
0x8d: {  	s2 =	sadd.s32 s2, s15  }
0x8e: {  	[smem:$0x3FC6] =	sst s2  }
0x8f: {  	_ = 	snop  }
0x90: {  	s2 =	sld [smem:$0x3FD0];
	_ =	sdelay $0x2  }
0x91: {  	s4 =	simm.s32 $0xA;
	s5 =	simm.s32 $0x10;
	s16 =	sld [smem:$0x3FC8]  }
0x92: {  	[smem:s5], [sflag:s4] =	dma.local [hbm:s2], $0x1  }
0x93: {  	_ =	swait.eq [sflag:s4], $0x1  }
0x94: {  	[sflag:s4] =	ssyncset.done $0x0  }
0x95: {  	s17 =	sld [smem:$0x10];
	[sflag:s4] =	ssyncadd.s32 $0xFFFFFFFF  }
0x96: {  	s18 =	sld [smem:$0x12];
	(tm) =	ssettm $0x1  }
0x97: {  	s19 =	sld [smem:$0x3FFB];
	_ =	sdelay $0x3  }
0x98: {  	_ =	strace s19  }
0x99: {  	s5 =	sld [smem:$0x3FFC];
	_ =	sdelay $0x3  }
0x9a: {  	_ =	strace s5  }
0x9b: {  	s5 =	sld [smem:$0x3FFD];
	_ =	sdelay $0x3  }
0x9c: {  	_ =	strace s5  }
0x9d: {  	_ =	strace $0x8FFFFFFF  }
0x9e: {  	s20 =	sld [smem:$0x3FDB];
	_ =	sdelay $0x1  }
0x9f: {  	s6 =	simm.s32 $_scs_section_size  }
0xa0: {  	s7 =	simm.s32 $_size__tile_overlayer_lowered;
	s8 =	simm.s32 $_tile_overlayer_lowered  }
0xa1: {  	s23 =	simm.s32 $0x1BFF;
	s22 =	sshll.u32 s8, $0x1;
	s5 =	sadd.s32 s6, s20  }
0xa2: {  	s9 =	simm.s32 $0x0;
	s21 =	sshll.u32 s7, $0x1;
	s7 =	sadd.s32 s22, s5  }
0xa3: {  	[timem:s9], [sflag:s23] =	dma.local [hbm:s7], s21  }
0xa4: {  	_ =	swait.ge [sflag:s23], s21  }
0xa5: {  	s6 =	ssub.s32 $0x0, s21;
	[sflag:s23] =	ssyncset.done $0x0  }
0xa6: {  	[sflag:s23] =	ssyncadd.s32 s6;
	_ =	sdelay $0x1  }
0xa7: {  	s24 =	simm.s32 $0x1B8B  }
0xa8: {  	_ =	swait.ge [sflag:s24], $0x1  }
0xa9: {  	[sflag:s24] =	ssyncset.done $0x0  }
0xaa: {  	s25 =	simm.s32 $0x1B8E;
	[sflag:s24] =	ssyncadd.s32 $0xFFFFFFFF  }
0xab: {  	s26 =	simm.s32 $execute0_lowered;
	[smem:$0x3FD2] =	sst s25  }
0xac: {  	s6 =	sshll.u32 s26, $0x1;
	_ =	strace $0x80000046;
	[dreg:$0x1] =	wrdreg $0xFFFFFFFF  }
0xad: {  	s28 =	simm.s32 $_size_execute0_lowered;
	s5 =	sadd.s32 s5, s6;
	[dreg:$0x0] =	wrdreg $0x0  }
0xae: {  	s6 =	sshll.u32 s28, $0x1;
	[dreg:$0x2] =	wrdreg s5  }
0xaf: {  	[dreg:$0x3] =	wrdreg s6  }
0xb0: {  	[dreg:$0x4] =	wrdreg $0xC0  }
0xb1: {  	_ =	task [dreg:s9], $0x5FFFF  }
0xb2: {  	[dreg:$0x1] =	wrdreg $0xFFFFFFFF  }
0xb3: {  	[dreg:$0x0] =	wrdreg $0x60  }
0xb4: {  	[dreg:$0x2] =	wrdreg s16  }
0xb5: {  	[dreg:$0x3] =	wrdreg s17  }
0xb6: {  	[dreg:$0x4] =	wrdreg s18  }
0xb7: {  	[dreg:$0x5] =	wrdreg $0x9  }
0xb8: {  	_ =	task.clear_ibuf [dreg:s9], $0x6FFFF;
	_ =	strace $0x90000046  }
0xb9: {  	s29 =	simm.s32 $0x9;
	_ =	strace $0x80000048  }
0xba: {  	_ =	swait.ge [sflag:s29], $0x1  }
0xbb: {  	[sflag:s29] =	ssyncadd.s32 $0xFFFFFFFF  }
0xbc: {  	_ =	strace $0x90000048  }
0xbd: {  	_ =	sfence  }
0xbe: {  	s30 =	sld [smem:$0x0];
	_ =	sdelay $0x2  }
0xbf: {  	s31 =	sshll.u32 s1, $0xD;
	s1 =	sshrl.u32 s1, $0x2  }
0xc0: {  	s3 =	sand.u32 $0x4000, s31;
	s1 =	sadd.s32 s1, s30  }
0xc1: {  	s0 =	sor.u32 s3, s0;
	s1 =	sshll.u32 s1, $0x11  }
0xc2: {  	s0 =	sor.u32 s1, s0  }
0xc3: {  	s0 =	sadd.s32 $0x8F2B, s0  }
0xc4: {  	[sflag:s0] =	ssyncadd.remote.s32 $0x1  }
0xc5: {  	_ =	sfence.sel $0xFFFF  }
0xc6: {  	[dreg:$0x0] =	wrdreg $0xFFFFFFFF;
	(pc) =	sbr.abs _section_cstart, $3  }
0xc7: {  	[dreg:$0x1] =	wrdreg $0xFFFFFFFF  }
0xc8: {  	_ =	task.clear_ibuf [dreg:s9], $0x2FFFF;
	_ =	strace $0x9FFFFFFF  }
0xc9: {  	(tm) =	ssettm $0x7FFFFFFF  }
tec
execute0_lowered:
.L_overlay_start_1:
0x0: {  	(tag) =	ssettag $0x1  }
0x1: {  	s0 =	rddreg [dreg:$0x0]  }
0x2: {  	s4 =	rddreg [dreg:$0x1]  }
0x3: {  	s5 =	rddreg [dreg:$0x2];
	s1 =	srdreg.scid;
	s2 =	simm.s32 $0x0  }
0x4: {  	s30 =	stileid.u32;
	s23 =	simm.s32 $0x1;
	s24 =	simm.s32 $0x4000  }
0x5: {  	s25 =	simm.s32 $0x2;
	s26 =	simm.s32 $0x0;
	s3 =	sand.u32 $0x1, s1  }
0x6: {  	s8 =	sshll.u32 s30, $0xB;
	s6 =	ssub.s32 $0x2, s3;
	s3 =	sshll.u32 s3, $0xA  }
0x7: {  	[smem:$0x7FF] =	sst s2;
	s7 =	sshrl.u32 s6, $0x1;
	s31 =	sor.u32 s3, s8  }
0x8: {  	_ =	strace $0x80000047;
	s21 =	ssub.s32 s6, s7;
	s5 =	sadd.s32 s5, s31  }
0x9: {  	s3 =	sadd.s32 s0, s31;
	s4 =	sadd.s32 s4, s31;
	s6 =	sadd.s32 $0x8000, s5  }
0xa: {  	s7 =	sadd.s32 $0x10000, s5;
	s8 =	sadd.s32 $0x18000, s5;
	s9 =	sadd.s32 $0x20000, s5  }
0xb: {  	s10 =	sadd.s32 $0x28000, s5;
	s11 =	sadd.s32 $0x30000, s5;
	s12 =	sadd.s32 $0x38000, s5  }
0xc: {  	s13 =	sadd.s32 $0x40000, s5;
	s14 =	sadd.s32 $0x48000, s5;
	s15 =	sadd.s32 $0x50000, s5  }
0xd: {  	s16 =	sadd.s32 $0x58000, s5;
	s17 =	sadd.s32 $0x60000, s5;
	s18 =	sadd.s32 $0x68000, s5  }
0xe: {  	s19 =	sadd.s32 $0x70000, s5;
	s20 =	sadd.s32 $0x78000, s5;
	s21 =	smax.u32 s21, $0x1  }
.LBB2_1:
0xf: {  	[tilespmem:s2], [sflag:$0x1] =	stream.linear.gather [hbm4b:s3+s2], $0x2000, $0x38;
	[tilespmem:$0x6000] =	vst v63  }
0x10: {  	s0 =	simm.s32 $0x2000  }
0x11: {  	[tilespmem:s0], [sflag:$0x1] =	stream.linear.gather [hbm4b:s4+s2], $0x2000, $0x38;
	[tilespmem:$0x6000] =	vst v63  }
0x12: {  	_ =	swait.ge [sflag:s23], $0x2000  }
0x13: {  	[sflag:s23] =	ssyncset.done $0x0  }
0x14: {  	s1 =	simm.s32 $0x0;
	s28 =	sand.u32 $0xC00, s2;
	[sflag:s23] =	ssyncadd.s32 $0xFFFFE000  }
0x15: {  	s29 =	simm.s32 $0x0;
	s0 =	sand.u32 $0x1000, s1;
	_ =	swait.ge [sflag:s23], $0x2000  }
0x16: {  	s0 =	sor.u32 s28, s0;
	s28 =	sand.u32 $0x380, s29;
	[sflag:s23] =	ssyncset.done $0x0  }
0x17: {  	s0 =	sor.u32 s28, s0;
	[sflag:s23] =	ssyncadd.s32 $0xFFFFE000  }
0x18: {  	v0 =	vld [tilespmem:s0+$0x70]  }
0x19: {  	v1 =	vld [tilespmem:s0+$0x2070];
	_ =	sdelay $0x1  }
0x1a: {  	v2 =	vld [tilespmem:s0+$0x0]  }
0x1b: {  	v3 =	vld [tilespmem:s0+$0x2000]  }
0x1c: {  	v5 =	vld [tilespmem:s0+$0x2010];
	v0 =	vsub.f32 $0.0e+00, v0  }
0x1d: {  	v4 =	vld [tilespmem:s0+$0x10];
	v1 =	vsub.f32 $0.0e+00, v1  }
0x1e: {  	v7 =	vld [tilespmem:s0+$0x2020];
	v0 =	vmul.f32 $1.442695020e+00, v0  }
0x1f: {  	v6 =	vld [tilespmem:s0+$0x20];
	v1 =	vmul.f32 $1.442695020e+00, v1  }
0x20: {  	v2 =	vsub.f32 $0.0e+00, v2;
	(erf) = vpow2.f32 v0  }
0x21: {  	v5 =	vsub.f32 $0.0e+00, v5;
	v0 =	vsub.f32 $0.0e+00, v3;
	v3 =	vld [tilespmem:s0+$0x30];
	(erf) = vpow2.f32 v1  }
0x22: {  	v1 =	vmul.f32 $1.442695020e+00, v2;
	v2 =	vsub.f32 $0.0e+00, v4;
	v4 =	vld [tilespmem:s0+$0x2030]  }
0x23: {  	v7 =	vsub.f32 $0.0e+00, v7;
	v5 =	vmul.f32 $1.442695020e+00, v5;
	v0 =	vmul.f32 $1.442695020e+00, v0  }
0x24: {  	v6 =	vsub.f32 $0.0e+00, v6;
	v2 =	vmul.f32 $1.442695020e+00, v2;
	(erf) = vpow2.f32 v1;
	v1 =	vld [tilespmem:s0+$0x40]  }
0x25: {  	v7 =	vmul.f32 $1.442695020e+00, v7;
	(erf) = vpow2.f32 v0;
	v0 =	vld [tilespmem:s0+$0x2040]  }
0x26: {  	v6 =	vmul.f32 $1.442695020e+00, v6;
	v3 =	vsub.f32 $0.0e+00, v3;
	(erf) = vpow2.f32 v2;
	v2 =	vld [tilespmem:s0+$0x50]  }
0x27: {  	v4 =	vsub.f32 $0.0e+00, v4;
	(erf) = vpow2.f32 v5;
	v5 =	vld [tilespmem:s0+$0x2050]  }
0x28: {  	v3 =	vmul.f32 $1.442695020e+00, v3;
	(erf) = vpow2.f32 v6;
	v6 =	vld [tilespmem:s0+$0x60]  }
0x29: {  	v8 =	vld [tilespmem:s0+$0x2060];
	v4 =	vmul.f32 $1.442695020e+00, v4;
	(erf) = vpow2.f32 v7;
	v1 =	vsub.f32 $0.0e+00, v1;
	v7 =	vpop (erf)  }
0x2a: {  	(erf) = vpow2.f32 v3;
	v0 =	vsub.f32 $0.0e+00, v0;
	v3 =	vadd.f32 $1.000000000e+00, v7;
	v7 =	vpop (erf)  }
0x2b: {  	(erf) = vpow2.f32 v4;
	v1 =	vmul.f32 $1.442695020e+00, v1;
	v4 =	vadd.f32 $1.000000000e+00, v7  }
0x2c: {  	v2 =	vsub.f32 $0.0e+00, v2;
	(erf) = vrcp.f32 v3;
	v3 =	vsub.f32 $0.0e+00, v5  }
0x2d: {  	v0 =	vmul.f32 $1.442695020e+00, v0;
	(erf) = vrcp.f32 v4;
	v4 =	vsub.f32 $0.0e+00, v6  }
0x2e: {  	v5 =	vpop (erf);
	(erf) = vpow2.f32 v1;
	v1 =	vmul.f32 $1.442695020e+00, v3;
	v3 =	vsub.f32 $0.0e+00, v8  }
0x2f: {  	v2 =	vmul.f32 $1.442695020e+00, v2;
	v6 =	vpop (erf)  }
0x30: {  	v7 =	vpop (erf);
	(erf) = vpow2.f32 v0  }
0x31: {  	v0 =	vmul.f32 $1.442695020e+00, v4;
	v4 =	vpop (erf);
	(erf) = vpow2.f32 v2  }
0x32: {  	v2 =	vmul.f32 $1.442695020e+00, v3;
	v3 =	vpop (erf);
	(erf) = vpow2.f32 v1  }
0x33: {  	v1 =	vadd.f32 $1.000000000e+00, v5;
	v5 =	vpop (erf);
	(erf) = vpow2.f32 v0;
	v0 =	vadd.f32 $1.000000000e+00, v6  }
0x34: {  	s22 =	simm.s32 $0x80;
	s28 =	simm.s32 $0x400;
	v6 =	vpop (erf);
	(erf) = vpow2.f32 v2;
	v2 =	vadd.f32 $1.000000000e+00, v7  }
0x35: {  	s30 =	simm.s32 $0x20;
	s29 =	sand.u32 $0xC00, s28;
	s0 =	sand.u32 $0x1000, s22;
	(erf) = vrcp.f32 v1;
	v1 =	vadd.f32 $1.000000000e+00, v4  }
0x36: {  	s0 =	sor.u32 s29, s0;
	s29 =	sand.u32 $0x380, s30;
	v3 =	vadd.f32 $1.000000000e+00, v3;
	v7 =	vpop (erf)  }
0x37: {  	s0 =	sor.u32 s29, s0;
	v4 =	vadd.f32 $1.000000000e+00, v5;
	(erf) = vrcp.f32 v0;
	v0 =	vpop (erf)  }
0x38: {  	v5 =	vadd.f32 $1.000000000e+00, v6;
	v6 =	vadd.f32 $1.000000000e+00, v7;
	v7 =	vld [tilespmem:s0+$0x70];
	(erf) = vrcp.f32 v2;
	v2 =	vpop (erf)  }
0x39: {  	(erf) = vrcp.f32 v1;
	v1 =	vpop (erf)  }
0x3a: {  	(erf) = vrcp.f32 v3;
	v0 =	vadd.f32 v2, v0;
	v3 =	vpop (erf);
	v1 =	vadd.f32 $1.000000000e+00, v1  }
0x3b: {  	v2 =	vld [tilespmem:s0+$0x2070];
	(erf) = vrcp.f32 v4;
	v4 =	vpop (erf)  }
0x3c: {  	v8 =	vld [tilespmem:s0+$0x0];
	(erf) = vrcp.f32 v5;
	v3 =	vadd.f32 $1.000000000e+00, v3;
	v9 =	vmul.f32 $5.000000000e-01, v0;
	v5 =	vpop (erf)  }
0x3d: {  	v7 =	vsub.f32 $0.0e+00, v7;
	(erf) = vrcp.f32 v6;
	v0 =	vadd.f32 $1.000000000e+00, v4;
	v4 =	vld [tilespmem:s0+$0x2000];
	v6 =	vpop (erf)  }
0x3e: {  	v10 =	vld [tilespmem:s0+$0x10];
	(erf) = vrcp.f32 v1;
	v5 =	vadd.f32 $1.000000000e+00, v5;
	v1 =	vpop (erf)  }
0x3f: {  	v7 =	vmul.f32 $1.442695020e+00, v7;
	v6 =	vadd.f32 $1.000000000e+00, v6;
	(erf) = vrcp.f32 v3;
	v3 =	vld [tilespmem:s0+$0x2010];
	v11 =	vpop (erf)  }
0x40: {  	v13 =	vld [tilespmem:s0+$0x20];
	v2 =	vsub.f32 $0.0e+00, v2;
	v1 =	vadd.f32 $1.000000000e+00, v1;
	(erf) = vrcp.f32 v0;
	v12 =	vpop (erf)  }
0x41: {  	v0 =	vadd.f32 v12, v11;
	v11 =	vpop (erf);
	(erf) = vrcp.f32 v5;
	v5 =	vsub.f32 $0.0e+00, v8;
	v8 =	vld [tilespmem:s0+$0x2020]  }
0x42: {  	v2 =	vmul.f32 $1.442695020e+00, v2;
	v4 =	vsub.f32 $0.0e+00, v4;
	v12 =	vpop (erf);
	(erf) = vrcp.f32 v6  }
0x43: {  	v15 =	vpop (erf);
	(erf) = vrcp.f32 v1;
	v1 =	vmul.f32 $1.442695020e+00, v5;
	v5 =	vsub.f32 $0.0e+00, v10;
	v10 =	vld [tilespmem:s0+$0x2030]  }
0x44: {  	v6 =	vld [tilespmem:s0+$0x30];
	v4 =	vmul.f32 $1.442695020e+00, v4;
	v3 =	vsub.f32 $0.0e+00, v3;
	(erf) = vpow2.f32 v7  }
0x45: {  	v13 =	vsub.f32 $0.0e+00, v13;
	v16 =	vpop (erf);
	(erf) = vpow2.f32 v2;
	v5 =	vmul.f32 $1.442695020e+00, v5  }
0x46: {  	v2 =	vpop (erf);
	v3 =	vmul.f32 $1.442695020e+00, v3;
	(erf) = vpow2.f32 v1;
	v8 =	vsub.f32 $0.0e+00, v8  }
0x47: {  	v1 =	vpop (erf);
	(erf) = vpow2.f32 v4;
	v4 =	vmul.f32 $1.442695020e+00, v13  }
0x48: {  	v7 =	vld [tilespmem:s0+$0x40];
	v18 =	vpop (erf);
	(erf) = vpow2.f32 v5;
	v5 =	vmul.f32 $1.442695020e+00, v8;
	v8 =	vsub.f32 $0.0e+00, v10  }
0x49: {  	v14 =	vld [tilespmem:s0+$0x2040];
	v6 =	vsub.f32 $0.0e+00, v6;
	v19 =	vpop (erf);
	(erf) = vpow2.f32 v3  }
0x4a: {  	v17 =	vld [tilespmem:s0+$0x50];
	v20 =	vpop (erf);
	(erf) = vpow2.f32 v4;
	v4 =	vmul.f32 $1.442695020e+00, v8  }
0x4b: {  	v13 =	vld [tilespmem:s0+$0x2050];
	v3 =	vmul.f32 $1.442695020e+00, v6;
	v21 =	vpop (erf)  }
0x4c: {  	v10 =	vld [tilespmem:s0+$0x60];
	(erf) = vpow2.f32 v5;
	v22 =	vpop (erf)  }
0x4d: {  	v6 =	vsub.f32 $0.0e+00, v7;
	v7 =	vld [tilespmem:s0+$0x2060];
	(erf) = vpow2.f32 v3;
	v63 =	vpop (erf)  }
0x4e: {  	v8 =	vsub.f32 $0.0e+00, v14;
	(erf) = vpow2.f32 v4;
	v4 =	vpop (erf)  }
0x4f: {  	v5 =	vmul.f32 $1.442695020e+00, v6;
	v6 =	vsub.f32 $0.0e+00, v17;
	v4 =	vadd.f32 $1.000000000e+00, v4  }
0x50: {  	v3 =	vmul.f32 $1.442695020e+00, v8;
	v8 =	vsub.f32 $0.0e+00, v13  }
0x51: {  	v23 =	vmul.f32 $1.442695020e+00, v6;
	v6 =	vsub.f32 $0.0e+00, v10;
	v10 =	vpop (erf)  }
0x52: {  	v24 =	vmul.f32 $1.442695020e+00, v8;
	v8 =	vsub.f32 $0.0e+00, v7;
	v10 =	vadd.f32 $1.000000000e+00, v10;
	v7 =	vpop (erf)  }
0x53: {  	v25 =	vmul.f32 $1.442695020e+00, v6;
	v6 =	vadd.f32 v12, v11;
	(erf) = vrcp.f32 v4;
	v4 =	vpop (erf)  }
0x54: {  	v26 =	vmul.f32 $1.442695020e+00, v8;
	(erf) = vrcp.f32 v10;
	v13 =	vadd.f32 $1.000000000e+00, v4;
	v4 =	vpop (erf)  }
0x55: {  	v7 =	vadd.f32 $1.000000000e+00, v7;
	(erf) = vpow2.f32 v5;
	v14 =	vadd.f32 $1.000000000e+00, v4;
	v4 =	vpop (erf)  }
0x56: {  	v5 =	vadd.f32 v16, v15;
	(erf) = vpow2.f32 v3;
	v10 =	vadd.f32 $1.000000000e+00, v4;
	v4 =	vpop (erf)  }
0x57: {  	(erf) = vpow2.f32 v23;
	v11 =	vadd.f32 $1.000000000e+00, v4;
	v3 =	vpop (erf);
	v4 =	vadd.f32 v1, v2  }
0x58: {  	(erf) = vpow2.f32 v24;
	v2 =	vadd.f32 v21, v20;
	v8 =	vadd.f32 $1.000000000e+00, v3;
	v1 =	vpop (erf)  }
0x59: {  	s30 =	simm.s32 $0x4040;
	(erf) = vpow2.f32 v25;
	v3 =	vadd.f32 v19, v18;
	v12 =	vadd.f32 $1.000000000e+00, v1;
	v1 =	vpop (erf)  }
0x5a: {  	s31 =	simm.s32 $0x8;
	s29 =	simm.s32 $0x4040;
	[tilespmem:s30+$0x30] =	vst v9;
	(erf) = vpow2.f32 v26;
	v9 =	vadd.f32 $1.000000000e+00, v1;
	v1 =	vadd.f32 v63, v22  }
.LBB2_2:
0x5b: {  	s31 =	sadd.s32 $0x8, s31;
	(erf) = vrcp.f32 v7;
	v0 =	vmul.f32 $5.000000000e-01, v0  }
0x5c: {  	s28 =	sadd.s32 $0x400, s28;
	v6 =	vmul.f32 $5.000000000e-01, v6;
	s0 =	sshll.u32 s31, $0x4;
	p0 =	slt.u32 s31, $0x1F8;
	(erf) = vrcp.f32 v13;
	v7 =	vpop (erf)  }
0x5d: {  	s1 =	sand.u32 $0xC00, s28;
	s22 =	sshll.u32 s31, $0x2;
	s0 =	sand.u32 $0x1000, s0;
	(erf) = vrcp.f32 v14;
	v13 =	vpop (erf);
	[tilespmem:s30+$0xFFFFFFC0] =	vst v0;
	v0 =	vmul.f32 $5.000000000e-01, v5  }
0x5e: {  	v4 =	vmul.f32 $5.000000000e-01, v4;
	s0 =	sor.u32 s1, s0;
	s1 =	sand.u32 $0x380, s22;
	v5 =	vadd.f32 v13, v7;
	(erf) = vrcp.f32 v10;
	v7 =	vpop (erf);
	[tilespmem:s30+$0xFFFFFFD0] =	vst v6  }
0x5f: {  	s0 =	sor.u32 s1, s0;
	v6 =	vadd.f32 $1.000000000e+00, v7;
	(erf) = vrcp.f32 v11;
	v7 =	vpop (erf);
	[tilespmem:s30+$0xFFFFFFE0] =	vst v0;
	v0 =	vmul.f32 $5.000000000e-01, v3  }
0x60: {  	v3 =	vld [tilespmem:s0+$0x70];
	v7 =	vadd.f32 $1.000000000e+00, v7;
	v11 =	vmul.f32 $5.000000000e-01, v5;
	(erf) = vrcp.f32 v8;
	v8 =	vpop (erf);
	[tilespmem:s30+$0xFFFFFFF0] =	vst v4  }
0x61: {  	s30 =	sadd.s32 $0x80, s30;
	v4 =	vld [tilespmem:s0+$0x2070];
	v8 =	vadd.f32 $1.000000000e+00, v8;
	(erf) = vrcp.f32 v12;
	v10 =	vpop (erf);
	[tilespmem:s29+$0x0] =	vst v0;
	v12 =	vmul.f32 $5.000000000e-01, v2  }
0x62: {  	v1 =	vmul.f32 $5.000000000e-01, v1;
	v2 =	vld [tilespmem:s0+$0x0];
	v10 =	vadd.f32 $1.000000000e+00, v10;
	[tilespmem:s30+$0x30] =	vst v11;
	(erf) = vrcp.f32 v9;
	v5 =	vpop (erf)  }
0x63: {  	v9 =	vld [tilespmem:s0+$0x2000];
	v5 =	vadd.f32 $1.000000000e+00, v5;
	(erf) = vrcp.f32 v6;
	v6 =	vpop (erf);
	[tilespmem:s29+$0x10] =	vst v12  }
0x64: {  	v11 =	vld [tilespmem:s0+$0x10];
	v6 =	vadd.f32 $1.000000000e+00, v6;
	v0 =	vpop (erf);
	(erf) = vrcp.f32 v7;
	[tilespmem:s29+$0x20] =	vst v1;
	s29 =	smov.u32 s30  }
0x65: {  	v1 =	vld [tilespmem:s0+$0x2010];
	v3 =	vsub.f32 $0.0e+00, v3;
	v7 =	vpop (erf);
	(erf) = vrcp.f32 v8  }
0x66: {  	v8 =	vld [tilespmem:s0+$0x20];
	v4 =	vsub.f32 $0.0e+00, v4;
	v0 =	vadd.f32 v7, v0;
	v12 =	vpop (erf);
	(erf) = vrcp.f32 v10  }
0x67: {  	v2 =	vsub.f32 $0.0e+00, v2;
	v7 =	vld [tilespmem:s0+$0x2020];
	v13 =	vmul.f32 $1.442695020e+00, v3;
	v10 =	vpop (erf);
	(erf) = vrcp.f32 v5  }
0x68: {  	v5 =	vsub.f32 $0.0e+00, v9;
	v9 =	vld [tilespmem:s0+$0x30];
	v14 =	vmul.f32 $1.442695020e+00, v4;
	v15 =	vpop (erf);
	(erf) = vrcp.f32 v6  }
0x69: {  	v16 =	vmul.f32 $1.442695020e+00, v2;
	v6 =	vsub.f32 $0.0e+00, v11;
	v11 =	vld [tilespmem:s0+$0x2030];
	(erf) = vpow2.f32 v13;
	v3 =	vpop (erf)  }
0x6a: {  	v5 =	vmul.f32 $1.442695020e+00, v5;
	v1 =	vsub.f32 $0.0e+00, v1;
	v13 =	vld [tilespmem:s0+$0x40];
	(erf) = vpow2.f32 v14;
	v4 =	vpop (erf)  }
0x6b: {  	v6 =	vmul.f32 $1.442695020e+00, v6;
	v8 =	vsub.f32 $0.0e+00, v8;
	v14 =	vld [tilespmem:s0+$0x2040];
	(erf) = vpow2.f32 v16;
	v2 =	vpop (erf)  }
0x6c: {  	v19 =	vmul.f32 $1.442695020e+00, v1;
	v7 =	vsub.f32 $0.0e+00, v7;
	v16 =	vld [tilespmem:s0+$0x50];
	(erf) = vpow2.f32 v5;
	v17 =	vpop (erf)  }
0x6d: {  	v5 =	vmul.f32 $1.442695020e+00, v8;
	v8 =	vsub.f32 $0.0e+00, v9;
	v9 =	vld [tilespmem:s0+$0x2050];
	(erf) = vpow2.f32 v6;
	v18 =	vpop (erf)  }
0x6e: {  	v6 =	vmul.f32 $1.442695020e+00, v7;
	v7 =	vsub.f32 $0.0e+00, v11;
	v11 =	vld [tilespmem:s0+$0x60];
	(erf) = vpow2.f32 v19;
	v1 =	vpop (erf)  }
0x6f: {  	v8 =	vmul.f32 $1.442695020e+00, v8;
	v13 =	vsub.f32 $0.0e+00, v13;
	v19 =	vld [tilespmem:s0+$0x2060];
	(erf) = vpow2.f32 v5;
	v20 =	vpop (erf)  }
0x70: {  	v22 =	vmul.f32 $1.442695020e+00, v7;
	v7 =	vsub.f32 $0.0e+00, v14;
	(erf) = vpow2.f32 v6;
	v21 =	vpop (erf)  }
0x71: {  	v6 =	vmul.f32 $1.442695020e+00, v13;
	v14 =	vsub.f32 $0.0e+00, v16;
	(erf) = vpow2.f32 v8;
	v16 =	vpop (erf)  }
0x72: {  	v8 =	vmul.f32 $1.442695020e+00, v7;
	v23 =	vsub.f32 $0.0e+00, v9;
	(erf) = vpow2.f32 v22;
	v5 =	vpop (erf)  }
0x73: {  	v9 =	vmul.f32 $1.442695020e+00, v14;
	v24 =	vsub.f32 $0.0e+00, v11;
	v25 =	vadd.f32 $1.000000000e+00, v5;
	v13 =	vpop (erf)  }
0x74: {  	v22 =	vmul.f32 $1.442695020e+00, v23;
	v14 =	vsub.f32 $0.0e+00, v19;
	v19 =	vadd.f32 $1.000000000e+00, v13;
	v7 =	vpop (erf)  }
0x75: {  	v7 =	vadd.f32 $1.000000000e+00, v7;
	v23 =	vmul.f32 $1.442695020e+00, v24;
	v11 =	vpop (erf);
	(erf) = vrcp.f32 v25  }
0x76: {  	v13 =	vadd.f32 $1.000000000e+00, v11;
	v24 =	vmul.f32 $1.442695020e+00, v14;
	v5 =	vpop (erf);
	(erf) = vrcp.f32 v19  }
0x77: {  	v14 =	vadd.f32 $1.000000000e+00, v5;
	v5 =	vpop (erf);
	(erf) = vpow2.f32 v6;
	v6 =	vadd.f32 v10, v12  }
.Ltmp0:
0x78: {  	v10 =	vadd.f32 $1.000000000e+00, v5;
	v11 =	vpop (erf);
	(erf) = vpow2.f32 v8;
	v5 =	vadd.f32 v3, v15;
	(pc) =	sbr.rel @p0 .LBB2_2-.Ltmp0, $4  }
0x79: {  	v4 =	vadd.f32 v2, v4;
	v11 =	vadd.f32 $1.000000000e+00, v11;
	v3 =	vpop (erf);
	(erf) = vpow2.f32 v9  }
0x7a: {  	v8 =	vadd.f32 $1.000000000e+00, v3;
	v2 =	vpop (erf);
	(erf) = vpow2.f32 v22;
	v3 =	vadd.f32 v18, v17  }
0x7b: {  	v12 =	vadd.f32 $1.000000000e+00, v2;
	v9 =	vpop (erf);
	(erf) = vpow2.f32 v23;
	v2 =	vadd.f32 v20, v1  }
0x7c: {  	v1 =	vadd.f32 v16, v21;
	v9 =	vadd.f32 $1.000000000e+00, v9;
	(erf) = vpow2.f32 v24  }
0x7d: {  	(erf) = vrcp.f32 v7  }
0x7e: {  	(erf) = vrcp.f32 v13;
	v30 =	vpop (erf)  }
0x7f: {  	(erf) = vrcp.f32 v14;
	v31 =	vpop (erf)  }
0x80: {  	(erf) = vrcp.f32 v10;
	v32 =	vpop (erf)  }
0x81: {  	(erf) = vrcp.f32 v11;
	v33 =	vpop (erf)  }
0x82: {  	(erf) = vrcp.f32 v8;
	v34 =	vpop (erf)  }
0x83: {  	v10 =	vadd.f32 $1.000000000e+00, v32;
	(erf) = vrcp.f32 v12;
	v35 =	vpop (erf)  }
0x84: {  	v11 =	vadd.f32 $1.000000000e+00, v33;
	(erf) = vrcp.f32 v9;
	v36 =	vpop (erf)  }
0x85: {  	v8 =	vadd.f32 $1.000000000e+00, v34;
	(erf) = vrcp.f32 v10;
	v37 =	vpop (erf)  }
0x86: {  	v12 =	vadd.f32 $1.000000000e+00, v35;
	v38 =	vpop (erf);
	(erf) = vrcp.f32 v11  }
0x87: {  	v9 =	vadd.f32 $1.000000000e+00, v36;
	v39 =	vpop (erf);
	(erf) = vrcp.f32 v8  }
0x88: {  	v0 =	vmul.f32 $5.000000000e-01, v0;
	v40 =	vadd.f32 $1.000000000e+00, v37;
	v41 =	vpop (erf);
	(erf) = vrcp.f32 v12  }
0x89: {  	v6 =	vmul.f32 $5.000000000e-01, v6;
	v42 =	vpop (erf);
	(erf) = vrcp.f32 v9  }
0x8a: {  	v43 =	vmul.f32 $5.000000000e-01, v5;
	[tilespmem:s30+$0xFFFFFFC0] =	vst v0;
	v44 =	vpop (erf);
	(erf) = vrcp.f32 v40  }
0x8b: {  	v4 =	vmul.f32 $5.000000000e-01, v4;
	[tilespmem:s30+$0xFFFFFFD0] =	vst v6;
	v45 =	vpop (erf)  }
0x8c: {  	v46 =	vmul.f32 $5.000000000e-01, v3;
	[tilespmem:s30+$0xFFFFFFE0] =	vst v43;
	v47 =	vpop (erf)  }
0x8d: {  	v49 =	vmul.f32 $5.000000000e-01, v2;
	[tilespmem:s30+$0xFFFFFFF0] =	vst v4;
	v7 =	vadd.f32 v31, v30;
	v48 =	vpop (erf)  }
0x8e: {  	v1 =	vmul.f32 $5.000000000e-01, v1;
	[tilespmem:s29+$0x0] =	vst v46;
	v50 =	vadd.f32 v39, v38;
	v51 =	vpop (erf)  }
0x8f: {  	[tilespmem:s29+$0x10] =	vst v49;
	v7 =	vmul.f32 $5.000000000e-01, v7;
	v53 =	vadd.f32 v42, v41;
	v52 =	vpop (erf)  }
0x90: {  	s0 =	sadd.s32 $0x80, s30;
	[tilespmem:s29+$0x20] =	vst v1;
	v2 =	vmul.f32 $5.000000000e-01, v50;
	v5 =	vadd.f32 v45, v44;
	v54 =	vpop (erf)  }
0x91: {  	[tilespmem:s0+$0x30] =	vst v7;
	v56 =	vmul.f32 $5.000000000e-01, v53;
	v3 =	vadd.f32 v48, v47;
	v55 =	vpop (erf)  }
0x92: {  	[tilespmem:s0+$0xFFFFFFC0] =	vst v2;
	v58 =	vmul.f32 $5.000000000e-01, v5;
	v7 =	vadd.f32 v52, v51;
	v57 =	vpop (erf)  }
0x93: {  	[tilespmem:s0+$0xFFFFFFD0] =	vst v56;
	v60 =	vmul.f32 $5.000000000e-01, v3;
	v0 =	vadd.f32 v55, v54;
	v59 =	vpop (erf)  }
0x94: {  	[tilespmem:s0+$0xFFFFFFE0] =	vst v58;
	v62 =	vmul.f32 $5.000000000e-01, v7;
	v61 =	vadd.f32 v59, v57  }
0x95: {  	[tilespmem:s0+$0xFFFFFFF0] =	vst v60;
	v0 =	vmul.f32 $5.000000000e-01, v0  }
0x96: {  	[tilespmem:s0+$0x0] =	vst v62;
	v63 =	vmul.f32 $5.000000000e-01, v61  }
0x97: {  	[tilespmem:s0+$0x10] =	vst v0  }
0x98: {  	[tilespmem:s0+$0x20] =	vst v63  }
0x99: {  	[hbm4b:s5+s2] =	stream.linear.scatter [tilespmem:s24], [sflag:$0x2], $0x2000, $0x38;
	[tilespmem:$0x6000] =	vst v63  }
0x9a: {  	_ = 	snop  }
0x9b: {  	[hbm4b:s6+s2] =	stream.linear.scatter [tilespmem:s24], [sflag:$0x2], $0x2000, $0x38;
	[tilespmem:$0x6000] =	vst v63  }
0x9c: {  	_ = 	snop  }
0x9d: {  	[hbm4b:s7+s2] =	stream.linear.scatter [tilespmem:s24], [sflag:$0x2], $0x2000, $0x38;
	[tilespmem:$0x6000] =	vst v63  }
0x9e: {  	_ = 	snop  }
0x9f: {  	[hbm4b:s8+s2] =	stream.linear.scatter [tilespmem:s24], [sflag:$0x2], $0x2000, $0x38;
	[tilespmem:$0x6000] =	vst v63  }
0xa0: {  	_ = 	snop  }
0xa1: {  	[hbm4b:s9+s2] =	stream.linear.scatter [tilespmem:s24], [sflag:$0x2], $0x2000, $0x38;
	[tilespmem:$0x6000] =	vst v63  }
0xa2: {  	_ = 	snop  }
0xa3: {  	[hbm4b:s10+s2] =	stream.linear.scatter [tilespmem:s24], [sflag:$0x2], $0x2000, $0x38;
	[tilespmem:$0x6000] =	vst v63  }
0xa4: {  	_ = 	snop  }
0xa5: {  	[hbm4b:s11+s2] =	stream.linear.scatter [tilespmem:s24], [sflag:$0x2], $0x2000, $0x38;
	[tilespmem:$0x6000] =	vst v63  }
0xa6: {  	_ = 	snop  }
0xa7: {  	[hbm4b:s12+s2] =	stream.linear.scatter [tilespmem:s24], [sflag:$0x2], $0x2000, $0x38;
	[tilespmem:$0x6000] =	vst v63  }
0xa8: {  	_ = 	snop  }
0xa9: {  	[hbm4b:s13+s2] =	stream.linear.scatter [tilespmem:s24], [sflag:$0x2], $0x2000, $0x38;
	[tilespmem:$0x6000] =	vst v63  }
0xaa: {  	_ = 	snop  }
0xab: {  	[hbm4b:s14+s2] =	stream.linear.scatter [tilespmem:s24], [sflag:$0x2], $0x2000, $0x38;
	[tilespmem:$0x6000] =	vst v63  }
0xac: {  	_ = 	snop  }
0xad: {  	[hbm4b:s15+s2] =	stream.linear.scatter [tilespmem:s24], [sflag:$0x2], $0x2000, $0x38;
	[tilespmem:$0x6000] =	vst v63  }
0xae: {  	_ = 	snop  }
0xaf: {  	[hbm4b:s16+s2] =	stream.linear.scatter [tilespmem:s24], [sflag:$0x2], $0x2000, $0x38;
	[tilespmem:$0x6000] =	vst v63  }
0xb0: {  	_ = 	snop  }
0xb1: {  	[hbm4b:s17+s2] =	stream.linear.scatter [tilespmem:s24], [sflag:$0x2], $0x2000, $0x38;
	[tilespmem:$0x6000] =	vst v63  }
0xb2: {  	_ = 	snop  }
0xb3: {  	[hbm4b:s18+s2] =	stream.linear.scatter [tilespmem:s24], [sflag:$0x2], $0x2000, $0x38;
	[tilespmem:$0x6000] =	vst v63  }
0xb4: {  	_ = 	snop  }
0xb5: {  	[hbm4b:s19+s2] =	stream.linear.scatter [tilespmem:s24], [sflag:$0x2], $0x2000, $0x38;
	[tilespmem:$0x6000] =	vst v63  }
0xb6: {  	_ = 	snop  }
0xb7: {  	[hbm4b:s20+s2] =	stream.linear.scatter [tilespmem:s24], [sflag:$0x2], $0x2000, $0x38;
	[tilespmem:$0x6000] =	vst v63  }
0xb8: {  	_ =	swait.ge [sflag:s25], $0x2000  }
0xb9: {  	[sflag:s25] =	ssyncset.done $0x0  }
0xba: {  	[sflag:s25] =	ssyncadd.s32 $0xFFFFE000  }
0xbb: {  	_ =	swait.ge [sflag:s25], $0x2000  }
0xbc: {  	[sflag:s25] =	ssyncset.done $0x0  }
0xbd: {  	[sflag:s25] =	ssyncadd.s32 $0xFFFFE000  }
0xbe: {  	_ =	swait.ge [sflag:s25], $0x2000  }
0xbf: {  	[sflag:s25] =	ssyncset.done $0x0  }
0xc0: {  	[sflag:s25] =	ssyncadd.s32 $0xFFFFE000  }
0xc1: {  	_ =	swait.ge [sflag:s25], $0x2000  }
0xc2: {  	[sflag:s25] =	ssyncset.done $0x0  }
0xc3: {  	[sflag:s25] =	ssyncadd.s32 $0xFFFFE000  }
0xc4: {  	_ =	swait.ge [sflag:s25], $0x2000  }
0xc5: {  	[sflag:s25] =	ssyncset.done $0x0  }
0xc6: {  	[sflag:s25] =	ssyncadd.s32 $0xFFFFE000  }
0xc7: {  	_ =	swait.ge [sflag:s25], $0x2000  }
0xc8: {  	[sflag:s25] =	ssyncset.done $0x0  }
0xc9: {  	[sflag:s25] =	ssyncadd.s32 $0xFFFFE000  }
0xca: {  	_ =	swait.ge [sflag:s25], $0x2000  }
0xcb: {  	[sflag:s25] =	ssyncset.done $0x0  }
0xcc: {  	[sflag:s25] =	ssyncadd.s32 $0xFFFFE000  }
0xcd: {  	_ =	swait.ge [sflag:s25], $0x2000  }
0xce: {  	[sflag:s25] =	ssyncset.done $0x0  }
0xcf: {  	[sflag:s25] =	ssyncadd.s32 $0xFFFFE000  }
0xd0: {  	_ =	swait.ge [sflag:s25], $0x2000  }
0xd1: {  	[sflag:s25] =	ssyncset.done $0x0  }
0xd2: {  	[sflag:s25] =	ssyncadd.s32 $0xFFFFE000  }
0xd3: {  	_ =	swait.ge [sflag:s25], $0x2000  }
0xd4: {  	[sflag:s25] =	ssyncset.done $0x0  }
0xd5: {  	[sflag:s25] =	ssyncadd.s32 $0xFFFFE000  }
0xd6: {  	_ =	swait.ge [sflag:s25], $0x2000  }
0xd7: {  	[sflag:s25] =	ssyncset.done $0x0  }
0xd8: {  	[sflag:s25] =	ssyncadd.s32 $0xFFFFE000  }
0xd9: {  	_ =	swait.ge [sflag:s25], $0x2000  }
0xda: {  	[sflag:s25] =	ssyncset.done $0x0  }
0xdb: {  	[sflag:s25] =	ssyncadd.s32 $0xFFFFE000  }
0xdc: {  	_ =	swait.ge [sflag:s25], $0x2000  }
0xdd: {  	[sflag:s25] =	ssyncset.done $0x0  }
0xde: {  	[sflag:s25] =	ssyncadd.s32 $0xFFFFE000  }
0xdf: {  	_ =	swait.ge [sflag:s25], $0x2000  }
0xe0: {  	[sflag:s25] =	ssyncset.done $0x0  }
0xe1: {  	s26 =	sadd.s32 $0x1, s26;
	[sflag:s25] =	ssyncadd.s32 $0xFFFFE000  }
0xe2: {  	p0 =	sne.s32 s26, s21;
	_ =	swait.ge [sflag:s25], $0x2000  }
.Ltmp1:
0xe3: {  	[sflag:s25] =	ssyncset.done $0x0;
	(pc) =	sbr.rel @p0 .LBB2_1-.Ltmp1, $4  }
0xe4: {  	[sflag:s25] =	ssyncadd.s32 $0xFFFFE000  }
0xe5: {  	_ =	swait.ge [sflag:s25], $0x2000  }
0xe6: {  	[sflag:s25] =	ssyncset.done $0x0  }
0xe7: {  	[sflag:s25] =	ssyncadd.s32 $0xFFFFE000  }
0xe8: {  	_ =	sfence.sel $0x180000  }
0xe9: {  	[bflag:$0x0] =	sbarrier.arrive $0xFFFF  }
0xea: {  	_ =	strace $0x90000047  }
0xeb: {  	s0 =	stileid.u32;
	[bflag:$0x2] =	sbarrier.arrive $0xFFFF  }
0xec: {  	p0 =	sne.s32 s0, $0x0;
	s0 =	rddreg [dreg:$0x3]  }
0xed: {  	s0 =	sadd.s32 @!p0 $0x100000, s0  }
0xee: {  	[sflag:s0] =	ssyncadd.tile.s32 @!p0 $0x1;
	_ =	shalt  }
.Lfunc_end2:
_tile_overlayer_lowered:
.L_overlay_start_2:
0xef: {  	(tag) =	ssettag $0x2  }
0xf0: {  	s0 =	rddreg [dreg:$0x0];
	s2 =	stileid.u32  }
0xf1: {  	s1 =	rddreg [dreg:$0x1];
	p0 =	sne.s32 s2, $0x0  }
0xf2: {  	s3 =	rddreg [dreg:$0x2];
	[bflag:$0x3] =	sbarrier.arrive $0xFFFF;
	s2 =	simm.s32 @!p0 $0x1C03  }
0xf3: {  	[timem:s3], [sflag:s2] =	dma.local @!p0 [hbm:s0], s1  }
0xf4: {  	s0 =	simm.s32 @!p0 $0x3  }
0xf5: {  	_ =	swait.ge @!p0 [sflag:s0], s1  }
0xf6: {  	s1 =	ssub.s32 @!p0 $0x0, s1;
	[sflag:s0] =	ssyncset.done @!p0 $0x0  }
0xf7: {  	[sflag:s0] =	ssyncadd.s32 @!p0 s1  }
0xf8: {  	[bflag:$0x3] =	sbarrier.arrive $0xFFFF  }
0xf9: {  	_ =	shalt  }

</sc_bundles>
